<compile_context>
chip_gen: v7x
topology: tpu7x:2x2x1
jax: 0.10.2.dev20260603
libtpu: 0.0.44.dev20260713+nightly
codegen_flags: <defaults>
</compile_context>

<pallas_src>
import functools

import jax
import jax.numpy as jnp
import numpy as np
from jax import lax
from jax.experimental import pallas as pl
from jax.experimental.pallas import tpu as pltpu
from jax.experimental.pallas import tpu_sc as plsc

_I32_MIN = np.int32(-2147483648)
_I32_LOW = np.int32(2147483647)
_NBLK = 128


def _sc_select_body(L, x_hbm, theta_hbm, out_hbm, row_v, hist_v,
                    sums_v, theta_v, thr_v, sem0):
    nsub = 16
    wid = lax.axis_index("s") * 2 + lax.axis_index("c")

    cp0 = pltpu.async_copy(x_hbm.at[wid], row_v, sem0)

    pltpu.sync_copy(theta_hbm, theta_v)
    th = theta_v[...]
    act = 1.0 / (1.0 + jnp.exp(-th))
    kf = L * (1.0 - act)
    k = jnp.clip(kf.astype(jnp.int32), 1, L)

    ones = jnp.full((nsub,), 1, jnp.int32)
    last = jnp.full((nsub,), nsub - 1, jnp.int32)
    zero_v = jnp.zeros((nsub,), jnp.int32)

    def splat_last(v):
        return v.at[last].get(mode="promise_in_bounds")

    def load_u(i, raw_order):
        if not raw_order:
            base = i * nsub
            h = hist_v[pl.ds(base, nsub)]
        else:
            base = jnp.where(i < 64, 2032 - i * nsub, i * nsub - 1024)
            condv = jnp.full((nsub,), i, jnp.int32) < 64
            h = hist_v[pl.ds(base, nsub)]
            h = jnp.where(condv, lax.rev(h, (0,)), h)
        return h, base

    def scan(rbud, raw_order):
        @plsc.parallel_loop(0, _NBLK, carry=(zero_v, zero_v, zero_v))
        def scarry(i, carry):
            c, bacc, mvec = carry
            h, base = load_u(i, raw_order)
            cs = plsc.cumsum(h) + c
            m = cs <= rbud
            bacc = bacc + plsc.all_reduce_population_count(m)
            mvec = jnp.maximum(mvec, jnp.where(m, cs, 0))
            hist_v[pl.ds(base, nsub)] = zero_v
            return splat_last(cs), bacc, mvec

        _, bacc, mvec = scarry
        return bacc, splat_last(plsc.cummax(mvec))

    @plsc.parallel_loop(0, _NBLK, unroll=4)
    def _(i):
        hist_v[pl.ds(i * nsub, nsub)] = zero_v

    cp0.wait()

    @plsc.parallel_loop(0, L // nsub, unroll=4)
    def _(i):
        v = row_v[pl.ds(i * nsub, nsub)]
        bits = lax.bitcast_convert_type(v, jnp.int32)
        plsc.addupdate_scatter(
            hist_v, [lax.shift_right_logical(bits, 21)], ones)

    rbud1 = jnp.int32(L) - k
    b1, m1 = scan(rbud1, raw_order=True)

    neg = b1 < 1024
    sgnv = jnp.where(neg, jnp.full((nsub,), -1, jnp.int32),
                     jnp.full((nsub,), _I32_MIN, jnp.int32))
    basev = b1 << 11
    rbud2 = rbud1 - m1

    @plsc.parallel_loop(0, L // nsub, unroll=4)
    def _(i):
        v = row_v[pl.ds(i * nsub, nsub)]
        bits = lax.bitcast_convert_type(v, jnp.int32)
        t = lax.shift_right_logical(bits ^ sgnv, 10)
        d = t - basev
        m = plsc.bitcast(d, jnp.uint32) < jnp.uint32(2048)
        plsc.addupdate_scatter(hist_v, [d], ones, mask=m)

    b2, _ = scan(rbud2, raw_order=False)

    qv = ((b1 << 11) | b2) << 10
    q_s = qv ^ _I32_MIN
    fbits = jnp.where(q_s < 0, q_s ^ _I32_LOW, q_s)
    thr_v[...] = lax.bitcast_convert_type(fbits, jnp.float32)
    pltpu.sync_copy(thr_v, out_hbm.at[wid])


def _sc_select(inputs, theta):
    R, L = inputs.shape
    mesh = plsc.VectorSubcoreMesh(core_axis_name="c", subcore_axis_name="s")
    kfn = functools.partial(
        pl.kernel,
        mesh=mesh,
        compiler_params=pltpu.CompilerParams(
            needs_layout_passes=False,
            disable_bounds_checks=True,
        ),
        out_type=jax.ShapeDtypeStruct((32, 16), jnp.float32),
        scratch_types=[
            pltpu.VMEM((L,), jnp.float32),
            pltpu.VMEM((2048,), jnp.int32),
            pltpu.VMEM((128,), jnp.int32),
            pltpu.VMEM((16,), jnp.float32),
            pltpu.VMEM((16,), jnp.float32),
            pltpu.SemaphoreType.DMA,
        ],
    )(functools.partial(_sc_select_body, L))
    return kfn(inputs, jnp.broadcast_to(theta, (16,)))


def _tc_select_body(theta_ref, x_ref, o_ref):
    Rb, L = x_ref.shape
    x = x_ref[...]
    th = theta_ref[0, 0]
    act = 1.0 / (1.0 + jnp.exp(-th))
    k = jnp.floor(L * (1.0 - act)).astype(jnp.int32)

    bits = jax.lax.bitcast_convert_type(x, jnp.int32)
    key = jnp.where(bits < 0, bits ^ _I32_LOW, bits)

    def step(i, p):
        b = jnp.left_shift(jnp.int32(1), 31 - i)
        cand_u = p | b
        cand_s = cand_u ^ _I32_MIN
        cnt = jnp.sum((key >= cand_s).astype(jnp.int32), axis=1, keepdims=True)
        return jnp.where(cnt >= k, cand_u, p)

    p = jax.lax.fori_loop(0, 18, step, jnp.zeros((Rb, 1), jnp.int32))
    q_s = p ^ _I32_MIN
    fbits = jnp.where(q_s < 0, q_s ^ _I32_LOW, q_s)
    thr = jax.lax.bitcast_convert_type(fbits, jnp.float32)
    o_ref[...] = jnp.broadcast_to(thr, (Rb, 16))


def _tc_select(inputs, theta):
    R, L = inputs.shape
    half = R // 2
    theta2d = jnp.reshape(theta, (1, 1))
    return pl.pallas_call(
        _tc_select_body,
        out_shape=jax.ShapeDtypeStruct((half, 16), jnp.float32),
        grid=(1,),
        in_specs=[
            pl.BlockSpec(memory_space=pltpu.SMEM),
            pl.BlockSpec((half, L), lambda i: (1, 0)),
        ],
        out_specs=pl.BlockSpec((half, 16), lambda i: (0, 0)),
    )(theta2d, inputs)


def _tc_mask_body(thr_sc_ref, thr_tc_ref, x_ref, o_ref):
    mid = jnp.minimum(jnp.min(thr_sc_ref[...]), jnp.min(thr_tc_ref[...]))
    z = x_ref[...] - mid
    ez = jnp.exp(-jnp.abs(z))
    t = 1.0 / (1.0 + ez)
    o_ref[...] = jnp.where(z >= 0, t, 1.0 - t)


def _tc_mask(inputs, thr_sc, thr_tc):
    R, L = inputs.shape
    blk = 8192
    return pl.pallas_call(
        _tc_mask_body,
        out_shape=jax.ShapeDtypeStruct((R, L), jnp.float32),
        grid=(L // blk,),
        in_specs=[
            pl.BlockSpec((32, 16), lambda i: (0, 0)),
            pl.BlockSpec((32, 16), lambda i: (0, 0)),
            pl.BlockSpec((R, blk), lambda i: (0, i)),
        ],
        out_specs=pl.BlockSpec((R, blk), lambda i: (0, i)),
    )(thr_sc, thr_tc, inputs)


def kernel(inputs, theta):
    thr_sc = _sc_select(inputs, theta)
    thr_tc = _tc_select(inputs, theta)
    return _tc_mask(inputs, thr_sc, thr_tc)

# --- scband reference (transcript-rebuilt; emitter-appended) ---
"""Pipeline reference for scband-top-klayer-58222576664882 (READ-ONLY COPY).

The authoritative reference and input builder live on the scoring server;
editing this copy changes nothing except your own understanding.
"""

import jax, jax.numpy as jnp
import numpy as np

def setup_inputs(seed: int = 0) -> dict:
    key = jax.random.key(seed)
    k1, _ = jax.random.split(key)
    inputs = jax.random.normal(k1, (64, 32768), dtype=jnp.float32)
    theta = jnp.array([0.0], dtype=jnp.float32)  # learned scalar param from __init__
    return {"inputs": inputs, "theta": theta}

def reference(inputs, theta):
    # act_theta = sigmoid(theta); k = int(L * (1 - act_theta[0]))
    act_theta = jax.nn.sigmoid(theta)
    L = inputs.shape[-1]
    k = jnp.floor(L * (1.0 - act_theta[0])).astype(jnp.int32)
    sorted_desc = jnp.sort(inputs, axis=-1)[..., ::-1]
    kth_per_row = jnp.take(sorted_desc, k - 1, axis=-1)
    mid = jnp.min(kth_per_row)          # tf.reduce_min over all topk values -> scalar
    return jax.nn.sigmoid(inputs - mid)

if __name__ == "__main__":
    import jax
    _d = setup_inputs()
    print(jax.jit(kernel)(*tuple(_d.values())))

</pallas_src>

<mosaic_0001>
#map = affine_map<(d0, d1) -> (0, 0)>
#map1 = affine_map<(d0, d1) -> (0)>
module attributes {stable_mosaic.version = 14 : i64} {
  func.func @_sc_select_body(%arg0: i32, %arg1: i32, %arg2: memref<64x32768xf32, #tpu.memory_space<hbm>>, %arg3: memref<16xf32, #tpu.memory_space<hbm>>, %arg4: memref<32x16xf32, #tpu.memory_space<hbm>>, %arg5: memref<32768xf32, #tpu.memory_space<vmem>>, %arg6: memref<2048xi32, #tpu.memory_space<vmem>>, %arg7: memref<128xi32, #tpu.memory_space<vmem>>, %arg8: memref<16xf32, #tpu.memory_space<vmem>>, %arg9: memref<16xf32, #tpu.memory_space<vmem>>, %arg10: memref<!tpu.dma_semaphore, #tpu.memory_space<semaphore_mem>>) attributes {dimension_semantics = [#tpu.dimension_semantics<core_parallel>, #tpu.dimension_semantics<subcore_parallel>], iteration_bounds = array<i64: 2, 16>, scalar_prefetch = 0 : i64, scratch_operands = 6 : i64, tpu.core_type = #tpu.core_type<sc_vector_subcore>, window_params = [{transform_indices = #map}, {transform_indices = #map1}, {transform_indices = #map}]} {
    %mul3A = arith.constant 2 : i32
    %mul3A_0 = arith.muli %arg1, %mul3A : i32
    %add3A = arith.addi %mul3A_0, %arg0 : i32
    %dma_start3A = arith.constant 0 : i32
    %dma_start3A_1 = tpu.memref_slice %arg2[%add3A, %dma_start3A] : memref<64x32768xf32, #tpu.memory_space<hbm>> -> memref<1x32768xf32, #tpu.memory_space<hbm>>
    %dma_start3A_2 = tpu.memref_squeeze %dma_start3A_1 : memref<1x32768xf32, #tpu.memory_space<hbm>> -> memref<32768xf32, #tpu.memory_space<hbm>>
    %dma_start3A_3 = arith.constant 0 : i32
    %dma_start3A_4 = tpu.memref_slice %arg2[%add3A, %dma_start3A_3] : memref<64x32768xf32, #tpu.memory_space<hbm>> -> memref<1x32768xf32, #tpu.memory_space<hbm>>
    %dma_start3A_5 = tpu.memref_squeeze %dma_start3A_4 : memref<1x32768xf32, #tpu.memory_space<hbm>> -> memref<32768xf32, #tpu.memory_space<hbm>>
    tpu.enqueue_dma source(%dma_start3A_5 : memref<32768xf32, #tpu.memory_space<hbm>>) target(%arg5 : memref<32768xf32, #tpu.memory_space<vmem>>) target_semaphore(%arg10 : memref<!tpu.dma_semaphore, #tpu.memory_space<semaphore_mem>>)
    "tpu.region"() ({
      %run_scoped3A = tpu.sem_alloc : memref<!tpu.dma_semaphore, #tpu.memory_space<semaphore_mem>>
      tpu.enqueue_dma source(%arg3 : memref<16xf32, #tpu.memory_space<hbm>>) target(%arg8 : memref<16xf32, #tpu.memory_space<vmem>>) target_semaphore(%run_scoped3A : memref<!tpu.dma_semaphore, #tpu.memory_space<semaphore_mem>>)
      tpu.wait_dma2 semaphore(%run_scoped3A : memref<!tpu.dma_semaphore, #tpu.memory_space<semaphore_mem>>) src(%arg3 : memref<16xf32, #tpu.memory_space<hbm>>) dst(%arg8 : memref<16xf32, #tpu.memory_space<vmem>>)
      tpu.yield
    }) : () -> ()
    %get3A = arith.constant 0 : index
    %get3A_6 = tpu.vector_load %arg8[%get3A] {strides = array<i32>} : memref<16xf32, #tpu.memory_space<vmem>>, vector<16xf32>,
    %neg3A = arith.constant 0.000000e+00 : f32
    %neg3A_7 = vector.broadcast %neg3A : f32 to vector<16xf32>
    %neg3A_8 = arith.subf %neg3A_7, %get3A_6 : vector<16xf32>
    %exp3A = math.exp %neg3A_8 : vector<16xf32>
    %add3A_9 = arith.constant 1.000000e+00 : f32
    %add3A_10 = vector.broadcast %add3A_9 : f32 to vector<16xf32>
    %add3A_11 = arith.addf %add3A_10, %exp3A : vector<16xf32>
    %div3A = arith.constant 1.000000e+00 : f32
    %div3A_12 = vector.broadcast %div3A : f32 to vector<16xf32>
    %div3A_13 = arith.divf %div3A_12, %add3A_11 : vector<16xf32>
    %sub3A = arith.constant 1.000000e+00 : f32
    %sub3A_14 = vector.broadcast %sub3A : f32 to vector<16xf32>
    %sub3A_15 = arith.subf %sub3A_14, %div3A_13 : vector<16xf32>
    %mul3A_16 = arith.constant 3.276800e+04 : f32
    %mul3A_17 = vector.broadcast %mul3A_16 : f32 to vector<16xf32>
    %mul3A_18 = arith.mulf %mul3A_17, %sub3A_15 : vector<16xf32>
    %convert_element_type3A = arith.fptosi %mul3A_18 : vector<16xf32> to vector<16xi32>
    %jit3A = arith.constant 1 : i32
    %jit3A_19 = arith.constant 32768 : i32
    %max3A = vector.broadcast %jit3A : i32 to vector<16xi32>
    %max3A_20 = arith.maxsi %max3A, %convert_element_type3A : vector<16xi32>
    %min3A = vector.broadcast %jit3A_19 : i32 to vector<16xi32>
    %min3A_21 = arith.minsi %min3A, %max3A_20 : vector<16xi32>
    %broadcast_in_dim3A = arith.constant 1 : i32
    %broadcast_in_dim3A_22 = vector.broadcast %broadcast_in_dim3A : i32 to vector<16xi32>
    %broadcast_in_dim3A_23 = arith.constant 15 : i32
    %broadcast_in_dim3A_24 = vector.broadcast %broadcast_in_dim3A_23 : i32 to vector<16xi32>
    %broadcast_in_dim3A_25 = arith.constant 0 : i32
    %broadcast_in_dim3A_26 = vector.broadcast %broadcast_in_dim3A_25 : i32 to vector<16xi32>
    %parallel_loop3A = arith.constant 0 : i32
    %parallel_loop3A_27 = arith.constant 128 : i32
    %parallel_loop3A_28 = arith.constant 1 : i32
    scf.for %parallel_loop3A_108 = %parallel_loop3A to %parallel_loop3A_27 step %parallel_loop3A_28  : i32 {
      %parallel_loop3A_109 = arith.constant 16 : i32
      %parallel_loop3A_110 = arith.muli %parallel_loop3A_108, %parallel_loop3A_109 : i32
      %parallel_loop3A_111 = arith.index_cast %parallel_loop3A_110 : i32 to index
      %parallel_loop3A_112 = tpu.vector_load %arg6[%parallel_loop3A_111] {strides = array<i32>} : memref<2048xi32, #tpu.memory_space<vmem>>, vector<16xi32>,
      tpu.vector_store %arg6[%parallel_loop3A_111], %broadcast_in_dim3A_26 {strides = array<i32>} : memref<2048xi32, #tpu.memory_space<vmem>>, vector<16xi32>,
    } {sc.loop_unroll_factor = 4 : i64, sc.parallel_access}
    %dma_wait3A = arith.constant 0 : i32
    %dma_wait3A_29 = tpu.memref_slice %arg2[%add3A, %dma_wait3A] : memref<64x32768xf32, #tpu.memory_space<hbm>> -> memref<1x32768xf32, #tpu.memory_space<hbm>>
    %dma_wait3A_30 = tpu.memref_squeeze %dma_wait3A_29 : memref<1x32768xf32, #tpu.memory_space<hbm>> -> memref<32768xf32, #tpu.memory_space<hbm>>
    %dma_wait3A_31 = arith.constant 0 : i32
    %dma_wait3A_32 = tpu.memref_slice %arg2[%add3A, %dma_wait3A_31] : memref<64x32768xf32, #tpu.memory_space<hbm>> -> memref<1x32768xf32, #tpu.memory_space<hbm>>
    %dma_wait3A_33 = tpu.memref_squeeze %dma_wait3A_32 : memref<1x32768xf32, #tpu.memory_space<hbm>> -> memref<32768xf32, #tpu.memory_space<hbm>>
    tpu.wait_dma2 semaphore(%arg10 : memref<!tpu.dma_semaphore, #tpu.memory_space<semaphore_mem>>) src(%dma_wait3A_33 : memref<32768xf32, #tpu.memory_space<hbm>>) dst(%arg5 : memref<32768xf32, #tpu.memory_space<vmem>>)
    %parallel_loop3A_34 = arith.constant 0 : i32
    %parallel_loop3A_35 = arith.constant 2048 : i32
    %parallel_loop3A_36 = arith.constant 1 : i32
    scf.for %parallel_loop3A_108 = %parallel_loop3A_34 to %parallel_loop3A_35 step %parallel_loop3A_36  : i32 {
      %parallel_loop3A_109 = arith.constant 16 : i32
      %parallel_loop3A_110 = arith.muli %parallel_loop3A_108, %parallel_loop3A_109 : i32
      %parallel_loop3A_111 = arith.index_cast %parallel_loop3A_110 : i32 to index
      %parallel_loop3A_112 = tpu.vector_load %arg5[%parallel_loop3A_111] {strides = array<i32>} : memref<32768xf32, #tpu.memory_space<vmem>>, vector<16xf32>,
      %parallel_loop3A_113 = tpu.bitcast %parallel_loop3A_112 : vector<16xf32> -> vector<16xi32>
      %parallel_loop3A_114 = arith.constant 21 : i32
      %parallel_loop3A_115 = vector.broadcast %parallel_loop3A_114 : i32 to vector<16xi32>
      %parallel_loop3A_116 = arith.shrui %parallel_loop3A_113, %parallel_loop3A_115 : vector<16xi32>
      tpu.vector_store_idx %arg6[%parallel_loop3A_116], %broadcast_in_dim3A_22 {add = true} : memref<2048xi32, #tpu.memory_space<vmem>>[vector<16xi32>], vector<16xi32>,
    } {sc.loop_unroll_factor = 4 : i64, sc.parallel_access}
    %sub3A_37 = arith.constant 32768 : i32
    %sub3A_38 = vector.broadcast %sub3A_37 : i32 to vector<16xi32>
    %sub3A_39 = arith.subi %sub3A_38, %min3A_21 : vector<16xi32>
    %parallel_loop3A_40 = arith.constant 0 : i32
    %parallel_loop3A_41 = arith.constant 128 : i32
    %parallel_loop3A_42 = arith.constant 1 : i32
    %parallel_loop3A_43:3 = scf.for %parallel_loop3A_108 = %parallel_loop3A_40 to %parallel_loop3A_41 step %parallel_loop3A_42 iter_args(%parallel_loop3A_109 = %broadcast_in_dim3A_26, %parallel_loop3A_110 = %broadcast_in_dim3A_26, %parallel_loop3A_111 = %broadcast_in_dim3A_26) -> (vector<16xi32>, vector<16xi32>, vector<16xi32>)  : i32 {
      %parallel_loop3A_112 = arith.constant 64 : i32
      %parallel_loop3A_113 = arith.cmpi slt, %parallel_loop3A_108, %parallel_loop3A_112 : i32
      %parallel_loop3A_114 = arith.constant 16 : i32
      %parallel_loop3A_115 = arith.muli %parallel_loop3A_108, %parallel_loop3A_114 : i32
      %parallel_loop3A_116 = arith.constant 2032 : i32
      %parallel_loop3A_117 = arith.subi %parallel_loop3A_116, %parallel_loop3A_115 : i32
      %parallel_loop3A_118 = arith.constant 16 : i32
      %parallel_loop3A_119 = arith.muli %parallel_loop3A_108, %parallel_loop3A_118 : i32
      %parallel_loop3A_120 = arith.constant 1024 : i32
      %parallel_loop3A_121 = arith.subi %parallel_loop3A_119, %parallel_loop3A_120 : i32
      %parallel_loop3A_122 = arith.select %parallel_loop3A_113, %parallel_loop3A_117, %parallel_loop3A_121 : i32
      %parallel_loop3A_123 = vector.broadcast %parallel_loop3A_108 : i32 to vector<16xi32>
      %parallel_loop3A_124 = arith.constant 64 : i32
      %parallel_loop3A_125 = vector.broadcast %parallel_loop3A_124 : i32 to vector<16xi32>
      %parallel_loop3A_126 = arith.cmpi slt, %parallel_loop3A_123, %parallel_loop3A_125 : vector<16xi32>
      %parallel_loop3A_127 = arith.index_cast %parallel_loop3A_122 : i32 to index
      %parallel_loop3A_128 = tpu.vector_load %arg6[%parallel_loop3A_127] {strides = array<i32>} : memref<2048xi32, #tpu.memory_space<vmem>>, vector<16xi32>,
      %parallel_loop3A_129 = arith.constant 15 : i32
      %parallel_loop3A_130 = vector.broadcast %parallel_loop3A_129 : i32 to vector<16xi32>
      %parallel_loop3A_131 = tpu.iota {dimensions = array<i32: 0>} : vector<16xi32>
      %parallel_loop3A_132 = arith.subi %parallel_loop3A_130, %parallel_loop3A_131 : vector<16xi32>
      %parallel_loop3A_133 = tpu.dynamic_gather %parallel_loop3A_128[%parallel_loop3A_132] in [0] : vector<16xi32>, vector<16xi32> -> vector<16xi32>
      %parallel_loop3A_134 = arith.select %parallel_loop3A_126, %parallel_loop3A_133, %parallel_loop3A_128 : vector<16xi1>, vector<16xi32>
      %parallel_loop3A_135 = arith.constant true
      %parallel_loop3A_136 = vector.broadcast %parallel_loop3A_135 : i1 to vector<16xi1>
      %parallel_loop3A_137 = tpu.scan <sum>, %parallel_loop3A_134 masked %parallel_loop3A_136 : vector<16xi32>, vector<16xi1> -> vector<16xi32>
      %parallel_loop3A_138 = arith.addi %parallel_loop3A_137, %parallel_loop3A_109 : vector<16xi32>
      %parallel_loop3A_139 = arith.cmpi sle, %parallel_loop3A_138, %sub3A_39 : vector<16xi32>
      %parallel_loop3A_140 = tpu.all_reduce %parallel_loop3A_139 {dim = 0 : i64, kind = #tpu.reduction_kind<sum>} : vector<16xi1> -> vector<16xi32>
      %parallel_loop3A_141 = arith.addi %parallel_loop3A_110, %parallel_loop3A_140 : vector<16xi32>
      %parallel_loop3A_142 = arith.constant 0 : i32
      %parallel_loop3A_143 = vector.broadcast %parallel_loop3A_142 : i32 to vector<16xi32>
      %parallel_loop3A_144 = arith.select %parallel_loop3A_139, %parallel_loop3A_138, %parallel_loop3A_143 : vector<16xi1>, vector<16xi32>
      %parallel_loop3A_145 = arith.maxsi %parallel_loop3A_111, %parallel_loop3A_144 : vector<16xi32>
      %parallel_loop3A_146 = arith.index_cast %parallel_loop3A_122 : i32 to index
      %parallel_loop3A_147 = tpu.vector_load %arg6[%parallel_loop3A_146] {strides = array<i32>} : memref<2048xi32, #tpu.memory_space<vmem>>, vector<16xi32>,
      tpu.vector_store %arg6[%parallel_loop3A_146], %broadcast_in_dim3A_26 {strides = array<i32>} : memref<2048xi32, #tpu.memory_space<vmem>>, vector<16xi32>,
      %parallel_loop3A_148 = arith.constant 0 : i32
      %parallel_loop3A_149 = vector.broadcast %parallel_loop3A_148 : i32 to vector<16xi32>
      %parallel_loop3A_150 = arith.cmpi slt, %broadcast_in_dim3A_24, %parallel_loop3A_149 : vector<16xi32>
      %parallel_loop3A_151 = arith.constant 16 : i32
      %parallel_loop3A_152 = vector.broadcast %parallel_loop3A_151 : i32 to vector<16xi32>
      %parallel_loop3A_153 = arith.addi %broadcast_in_dim3A_24, %parallel_loop3A_152 : vector<16xi32>
      %parallel_loop3A_154 = arith.select %parallel_loop3A_150, %parallel_loop3A_153, %broadcast_in_dim3A_24 : vector<16xi1>, vector<16xi32>
      %parallel_loop3A_155 = vector.shape_cast %parallel_loop3A_154 : vector<16xi32> to vector<16x1xi32>
      %parallel_loop3A_156 = vector.shape_cast %parallel_loop3A_155 : vector<16x1xi32> to vector<16xi32>
      %parallel_loop3A_157 = tpu.dynamic_gather %parallel_loop3A_138[%parallel_loop3A_156] in [0] : vector<16xi32>, vector<16xi32> -> vector<16xi32>
      scf.yield %parallel_loop3A_157, %parallel_loop3A_141, %parallel_loop3A_145 : vector<16xi32>, vector<16xi32>, vector<16xi32>
    } {sc.loop_unroll_factor = 1 : i64, sc.parallel_access}
    %broadcast_in_dim3A_44 = arith.constant true
    %broadcast_in_dim3A_45 = vector.broadcast %broadcast_in_dim3A_44 : i1 to vector<16xi1>
    %masked_cummax3A = arith.constant -2147483648 : i32
    %masked_cummax3A_46 = vector.broadcast %masked_cummax3A : i32 to vector<16xi32>
    %masked_cummax3A_47 = arith.xori %parallel_loop3A_43#2, %masked_cummax3A_46 : vector<16xi32>
    %masked_cummax3A_48 = tpu.scan <max>, %masked_cummax3A_47 masked %broadcast_in_dim3A_45 : vector<16xi32>, vector<16xi1> -> vector<16xi32>
    %masked_cummax3A_49 = arith.xori %masked_cummax3A_48, %masked_cummax3A_46 : vector<16xi32>
    %lt3A = arith.constant 0 : i32
    %lt3A_50 = vector.broadcast %lt3A : i32 to vector<16xi32>
    %lt3A_51 = arith.cmpi slt, %broadcast_in_dim3A_24, %lt3A_50 : vector<16xi32>
    %add3A_52 = arith.constant 16 : i32
    %add3A_53 = vector.broadcast %add3A_52 : i32 to vector<16xi32>
    %add3A_54 = arith.addi %broadcast_in_dim3A_24, %add3A_53 : vector<16xi32>
    %select_n3A = arith.select %lt3A_51, %add3A_54, %broadcast_in_dim3A_24 : vector<16xi1>, vector<16xi32>
    %broadcast_in_dim3A_55 = vector.shape_cast %select_n3A : vector<16xi32> to vector<16x1xi32>
    %gather3A = vector.shape_cast %broadcast_in_dim3A_55 : vector<16x1xi32> to vector<16xi32>
    %gather3A_56 = tpu.dynamic_gather %masked_cummax3A_49[%gather3A] in [0] : vector<16xi32>, vector<16xi32> -> vector<16xi32>
    %lt3A_57 = arith.constant 1024 : i32
    %lt3A_58 = vector.broadcast %lt3A_57 : i32 to vector<16xi32>
    %lt3A_59 = arith.cmpi slt, %parallel_loop3A_43#1, %lt3A_58 : vector<16xi32>
    %broadcast_in_dim3A_60 = arith.constant -1 : i32
    %broadcast_in_dim3A_61 = vector.broadcast %broadcast_in_dim3A_60 : i32 to vector<16xi32>
    %broadcast_in_dim3A_62 = arith.constant -2147483648 : i32
    %broadcast_in_dim3A_63 = vector.broadcast %broadcast_in_dim3A_62 : i32 to vector<16xi32>
    %select_n3A_64 = arith.select %lt3A_59, %broadcast_in_dim3A_61, %broadcast_in_dim3A_63 : vector<16xi1>, vector<16xi32>
    %shift_left3A = arith.constant 11 : i32
    %shift_left3A_65 = vector.broadcast %shift_left3A : i32 to vector<16xi32>
    %shift_left3A_66 = arith.shli %parallel_loop3A_43#1, %shift_left3A_65 : vector<16xi32>
    %sub3A_67 = arith.subi %sub3A_39, %gather3A_56 : vector<16xi32>
    %parallel_loop3A_68 = arith.constant 0 : i32
    %parallel_loop3A_69 = arith.constant 2048 : i32
    %parallel_loop3A_70 = arith.constant 1 : i32
    scf.for %parallel_loop3A_108 = %parallel_loop3A_68 to %parallel_loop3A_69 step %parallel_loop3A_70  : i32 {
      %parallel_loop3A_109 = arith.constant 16 : i32
      %parallel_loop3A_110 = arith.muli %parallel_loop3A_108, %parallel_loop3A_109 : i32
      %parallel_loop3A_111 = arith.index_cast %parallel_loop3A_110 : i32 to index
      %parallel_loop3A_112 = tpu.vector_load %arg5[%parallel_loop3A_111] {strides = array<i32>} : memref<32768xf32, #tpu.memory_space<vmem>>, vector<16xf32>,
      %parallel_loop3A_113 = tpu.bitcast %parallel_loop3A_112 : vector<16xf32> -> vector<16xi32>
      %parallel_loop3A_114 = arith.xori %parallel_loop3A_113, %select_n3A_64 : vector<16xi32>
      %parallel_loop3A_115 = arith.constant 10 : i32
      %parallel_loop3A_116 = vector.broadcast %parallel_loop3A_115 : i32 to vector<16xi32>
      %parallel_loop3A_117 = arith.shrui %parallel_loop3A_114, %parallel_loop3A_116 : vector<16xi32>
      %parallel_loop3A_118 = arith.subi %parallel_loop3A_117, %shift_left3A_66 : vector<16xi32>
      %parallel_loop3A_119 = vector.bitcast %parallel_loop3A_118 : vector<16xi32> to vector<16xi32>
      %parallel_loop3A_120 = arith.constant 2048 : i32
      %parallel_loop3A_121 = vector.broadcast %parallel_loop3A_120 : i32 to vector<16xi32>
      %parallel_loop3A_122 = arith.cmpi ult, %parallel_loop3A_119, %parallel_loop3A_121 : vector<16xi32>
      tpu.vector_store_idx %arg6[%parallel_loop3A_118], %broadcast_in_dim3A_22 masked %parallel_loop3A_122 {add = true} : memref<2048xi32, #tpu.memory_space<vmem>>[vector<16xi32>], vector<16xi32>, vector<16xi1>
    } {sc.loop_unroll_factor = 4 : i64, sc.parallel_access}
    %parallel_loop3A_71 = arith.constant 0 : i32
    %parallel_loop3A_72 = arith.constant 128 : i32
    %parallel_loop3A_73 = arith.constant 1 : i32
    %parallel_loop3A_74:3 = scf.for %parallel_loop3A_108 = %parallel_loop3A_71 to %parallel_loop3A_72 step %parallel_loop3A_73 iter_args(%parallel_loop3A_109 = %broadcast_in_dim3A_26, %parallel_loop3A_110 = %broadcast_in_dim3A_26, %parallel_loop3A_111 = %broadcast_in_dim3A_26) -> (vector<16xi32>, vector<16xi32>, vector<16xi32>)  : i32 {
      %parallel_loop3A_112 = arith.constant 16 : i32
      %parallel_loop3A_113 = arith.muli %parallel_loop3A_108, %parallel_loop3A_112 : i32
      %parallel_loop3A_114 = arith.index_cast %parallel_loop3A_113 : i32 to index
      %parallel_loop3A_115 = tpu.vector_load %arg6[%parallel_loop3A_114] {strides = array<i32>} : memref<2048xi32, #tpu.memory_space<vmem>>, vector<16xi32>,
      %parallel_loop3A_116 = arith.constant true
      %parallel_loop3A_117 = vector.broadcast %parallel_loop3A_116 : i1 to vector<16xi1>
      %parallel_loop3A_118 = tpu.scan <sum>, %parallel_loop3A_115 masked %parallel_loop3A_117 : vector<16xi32>, vector<16xi1> -> vector<16xi32>
      %parallel_loop3A_119 = arith.addi %parallel_loop3A_118, %parallel_loop3A_109 : vector<16xi32>
      %parallel_loop3A_120 = arith.cmpi sle, %parallel_loop3A_119, %sub3A_67 : vector<16xi32>
      %parallel_loop3A_121 = tpu.all_reduce %parallel_loop3A_120 {dim = 0 : i64, kind = #tpu.reduction_kind<sum>} : vector<16xi1> -> vector<16xi32>
      %parallel_loop3A_122 = arith.addi %parallel_loop3A_110, %parallel_loop3A_121 : vector<16xi32>
      %parallel_loop3A_123 = arith.constant 0 : i32
      %parallel_loop3A_124 = vector.broadcast %parallel_loop3A_123 : i32 to vector<16xi32>
      %parallel_loop3A_125 = arith.select %parallel_loop3A_120, %parallel_loop3A_119, %parallel_loop3A_124 : vector<16xi1>, vector<16xi32>
      %parallel_loop3A_126 = arith.maxsi %parallel_loop3A_111, %parallel_loop3A_125 : vector<16xi32>
      %parallel_loop3A_127 = arith.index_cast %parallel_loop3A_113 : i32 to index
      %parallel_loop3A_128 = tpu.vector_load %arg6[%parallel_loop3A_127] {strides = array<i32>} : memref<2048xi32, #tpu.memory_space<vmem>>, vector<16xi32>,
      tpu.vector_store %arg6[%parallel_loop3A_127], %broadcast_in_dim3A_26 {strides = array<i32>} : memref<2048xi32, #tpu.memory_space<vmem>>, vector<16xi32>,
      %parallel_loop3A_129 = arith.constant 0 : i32
      %parallel_loop3A_130 = vector.broadcast %parallel_loop3A_129 : i32 to vector<16xi32>
      %parallel_loop3A_131 = arith.cmpi slt, %broadcast_in_dim3A_24, %parallel_loop3A_130 : vector<16xi32>
      %parallel_loop3A_132 = arith.constant 16 : i32
      %parallel_loop3A_133 = vector.broadcast %parallel_loop3A_132 : i32 to vector<16xi32>
      %parallel_loop3A_134 = arith.addi %broadcast_in_dim3A_24, %parallel_loop3A_133 : vector<16xi32>
      %parallel_loop3A_135 = arith.select %parallel_loop3A_131, %parallel_loop3A_134, %broadcast_in_dim3A_24 : vector<16xi1>, vector<16xi32>
      %parallel_loop3A_136 = vector.shape_cast %parallel_loop3A_135 : vector<16xi32> to vector<16x1xi32>
      %parallel_loop3A_137 = vector.shape_cast %parallel_loop3A_136 : vector<16x1xi32> to vector<16xi32>
      %parallel_loop3A_138 = tpu.dynamic_gather %parallel_loop3A_119[%parallel_loop3A_137] in [0] : vector<16xi32>, vector<16xi32> -> vector<16xi32>
      scf.yield %parallel_loop3A_138, %parallel_loop3A_122, %parallel_loop3A_126 : vector<16xi32>, vector<16xi32>, vector<16xi32>
    } {sc.loop_unroll_factor = 1 : i64, sc.parallel_access}
    %broadcast_in_dim3A_75 = arith.constant true
    %broadcast_in_dim3A_76 = vector.broadcast %broadcast_in_dim3A_75 : i1 to vector<16xi1>
    %masked_cummax3A_77 = arith.constant -2147483648 : i32
    %masked_cummax3A_78 = vector.broadcast %masked_cummax3A_77 : i32 to vector<16xi32>
    %masked_cummax3A_79 = arith.xori %parallel_loop3A_74#2, %masked_cummax3A_78 : vector<16xi32>
    %masked_cummax3A_80 = tpu.scan <max>, %masked_cummax3A_79 masked %broadcast_in_dim3A_76 : vector<16xi32>, vector<16xi1> -> vector<16xi32>
    %masked_cummax3A_81 = arith.xori %masked_cummax3A_80, %masked_cummax3A_78 : vector<16xi32>
    %lt3A_82 = arith.constant 0 : i32
    %lt3A_83 = vector.broadcast %lt3A_82 : i32 to vector<16xi32>
    %lt3A_84 = arith.cmpi slt, %broadcast_in_dim3A_24, %lt3A_83 : vector<16xi32>
    %add3A_85 = arith.constant 16 : i32
    %add3A_86 = vector.broadcast %add3A_85 : i32 to vector<16xi32>
    %add3A_87 = arith.addi %broadcast_in_dim3A_24, %add3A_86 : vector<16xi32>
    %select_n3A_88 = arith.select %lt3A_84, %add3A_87, %broadcast_in_dim3A_24 : vector<16xi1>, vector<16xi32>
    %broadcast_in_dim3A_89 = vector.shape_cast %select_n3A_88 : vector<16xi32> to vector<16x1xi32>
    %gather3A_90 = vector.shape_cast %broadcast_in_dim3A_89 : vector<16x1xi32> to vector<16xi32>
    %gather3A_91 = tpu.dynamic_gather %masked_cummax3A_81[%gather3A_90] in [0] : vector<16xi32>, vector<16xi32> -> vector<16xi32>
    %shift_left3A_92 = arith.constant 11 : i32
    %shift_left3A_93 = vector.broadcast %shift_left3A_92 : i32 to vector<16xi32>
    %shift_left3A_94 = arith.shli %parallel_loop3A_43#1, %shift_left3A_93 : vector<16xi32>
    %or3A = arith.ori %shift_left3A_94, %parallel_loop3A_74#1 : vector<16xi32>
    %shift_left3A_95 = arith.constant 10 : i32
    %shift_left3A_96 = vector.broadcast %shift_left3A_95 : i32 to vector<16xi32>
    %shift_left3A_97 = arith.shli %or3A, %shift_left3A_96 : vector<16xi32>
    %xor3A = arith.constant -2147483648 : i32
    %xor3A_98 = vector.broadcast %xor3A : i32 to vector<16xi32>
    %xor3A_99 = arith.xori %shift_left3A_97, %xor3A_98 : vector<16xi32>
    %lt3A_100 = arith.constant 0 : i32
    %lt3A_101 = vector.broadcast %lt3A_100 : i32 to vector<16xi32>
    %lt3A_102 = arith.cmpi slt, %xor3A_99, %lt3A_101 : vector<16xi32>
    %xor3A_103 = arith.constant 2147483647 : i32
    %xor3A_104 = vector.broadcast %xor3A_103 : i32 to vector<16xi32>
    %xor3A_105 = arith.xori %xor3A_99, %xor3A_104 : vector<16xi32>
    %select_n3A_106 = arith.select %lt3A_102, %xor3A_105, %xor3A_99 : vector<16xi1>, vector<16xi32>
    %bitcast_convert_type3A = tpu.bitcast %select_n3A_106 : vector<16xi32> -> vector<16xf32>
    %swap3A = arith.constant 0 : index
    %swap3A_107 = tpu.vector_load %arg9[%swap3A] {strides = array<i32>} : memref<16xf32, #tpu.memory_space<vmem>>, vector<16xf32>,
    tpu.vector_store %arg9[%swap3A], %bitcast_convert_type3A {strides = array<i32>} : memref<16xf32, #tpu.memory_space<vmem>>, vector<16xf32>,
    "tpu.region"() ({
      %run_scoped3A = tpu.sem_alloc : memref<!tpu.dma_semaphore, #tpu.memory_space<semaphore_mem>>
      %dma_start3A_108 = arith.constant 0 : i32
      %dma_start3A_109 = tpu.memref_slice %arg4[%add3A, %dma_start3A_108] : memref<32x16xf32, #tpu.memory_space<hbm>> -> memref<1x16xf32, #tpu.memory_space<hbm>>
      %dma_start3A_110 = tpu.memref_squeeze %dma_start3A_109 : memref<1x16xf32, #tpu.memory_space<hbm>> -> memref<16xf32, #tpu.memory_space<hbm>>
      %dma_start3A_111 = arith.constant 0 : i32
      %dma_start3A_112 = tpu.memref_slice %arg4[%add3A, %dma_start3A_111] : memref<32x16xf32, #tpu.memory_space<hbm>> -> memref<1x16xf32, #tpu.memory_space<hbm>>
      %dma_start3A_113 = tpu.memref_squeeze %dma_start3A_112 : memref<1x16xf32, #tpu.memory_space<hbm>> -> memref<16xf32, #tpu.memory_space<hbm>>
      tpu.enqueue_dma source(%arg9 : memref<16xf32, #tpu.memory_space<vmem>>) target(%dma_start3A_113 : memref<16xf32, #tpu.memory_space<hbm>>) target_semaphore(%run_scoped3A : memref<!tpu.dma_semaphore, #tpu.memory_space<semaphore_mem>>)
      %dma_wait3A_114 = arith.constant 0 : i32
      %dma_wait3A_115 = tpu.memref_slice %arg4[%add3A, %dma_wait3A_114] : memref<32x16xf32, #tpu.memory_space<hbm>> -> memref<1x16xf32, #tpu.memory_space<hbm>>
      %dma_wait3A_116 = tpu.memref_squeeze %dma_wait3A_115 : memref<1x16xf32, #tpu.memory_space<hbm>> -> memref<16xf32, #tpu.memory_space<hbm>>
      %dma_wait3A_117 = arith.constant 0 : i32
      %dma_wait3A_118 = tpu.memref_slice %arg4[%add3A, %dma_wait3A_117] : memref<32x16xf32, #tpu.memory_space<hbm>> -> memref<1x16xf32, #tpu.memory_space<hbm>>
      %dma_wait3A_119 = tpu.memref_squeeze %dma_wait3A_118 : memref<1x16xf32, #tpu.memory_space<hbm>> -> memref<16xf32, #tpu.memory_space<hbm>>
      tpu.wait_dma2 semaphore(%run_scoped3A : memref<!tpu.dma_semaphore, #tpu.memory_space<semaphore_mem>>) src(%arg9 : memref<16xf32, #tpu.memory_space<vmem>>) dst(%dma_wait3A_119 : memref<16xf32, #tpu.memory_space<hbm>>)
      tpu.yield
    }) : () -> ()
    return
  }
}

module attributes {stable_mosaic.version = 14 : i64} {
  func.func @_tc_mask_body(%arg0: i32, %arg1: memref<32x16xf32, #tpu.memory_space<vmem>>, %arg2: memref<32x16xf32, #tpu.memory_space<vmem>>, %arg3: memref<64x8192xf32, #tpu.memory_space<vmem>>, %arg4: memref<64x8192xf32, #tpu.memory_space<vmem>>) attributes {dimension_semantics = [#tpu.dimension_semantics<arbitrary>], iteration_bounds = array<i64: 4>, scalar_prefetch = 0 : i64, scratch_operands = 0 : i64, tpu.core_type = #tpu.core_type<tc>, window_params = [{pipeline_mode = #tpu.pipeline_mode<synchronous>, transform_indices = @transform_0, window_bounds = array<i64: 32, 16>}, {pipeline_mode = #tpu.pipeline_mode<synchronous>, transform_indices = @transform_1, window_bounds = array<i64: 32, 16>}, {transform_indices = @transform_2, window_bounds = array<i64: 64, 8192>}, {transform_indices = @transform_3, window_bounds = array<i64: 64, 8192>}]} {
    %get3A = arith.constant 0 : index
    %get3A_0 = arith.constant 0 : index
    %get3A_1 = vector.load %arg1[%get3A, %get3A_0] : memref<32x16xf32, #tpu.memory_space<vmem>>, vector<32x16xf32>
    %reduce_min3A = vector.shape_cast %get3A_1 : vector<32x16xf32> to vector<1x32x16xf32>
    %reduce_min3A_2 = arith.constant dense<0x7F800000> : vector<1xf32>
    %reduce_min3A_3 = vector.multi_reduction <minimumf>, %reduce_min3A, %reduce_min3A_2 [1, 2] : vector<1x32x16xf32> to vector<1xf32>
    %reduce_min3A_4 = vector.shape_cast %reduce_min3A_3 : vector<1xf32> to vector<1x1x1xf32>
    %reduce_min3A_5 = vector.extract %reduce_min3A_4[0, 0, 0] : f32 from vector<1x1x1xf32>
    %get3A_6 = arith.constant 0 : index
    %get3A_7 = arith.constant 0 : index
    %get3A_8 = vector.load %arg2[%get3A_6, %get3A_7] : memref<32x16xf32, #tpu.memory_space<vmem>>, vector<32x16xf32>
    %reduce_min3A_9 = vector.shape_cast %get3A_8 : vector<32x16xf32> to vector<1x32x16xf32>
    %reduce_min3A_10 = arith.constant dense<0x7F800000> : vector<1xf32>
    %reduce_min3A_11 = vector.multi_reduction <minimumf>, %reduce_min3A_9, %reduce_min3A_10 [1, 2] : vector<1x32x16xf32> to vector<1xf32>
    %reduce_min3A_12 = vector.shape_cast %reduce_min3A_11 : vector<1xf32> to vector<1x1x1xf32>
    %reduce_min3A_13 = vector.extract %reduce_min3A_12[0, 0, 0] : f32 from vector<1x1x1xf32>
    %min3A = arith.minimumf %reduce_min3A_5, %reduce_min3A_13 : f32
    %get3A_14 = arith.constant 0 : index
    %get3A_15 = arith.constant 0 : index
    %get3A_16 = vector.load %arg3[%get3A_14, %get3A_15] : memref<64x8192xf32, #tpu.memory_space<vmem>>, vector<64x8192xf32>
    %sub3A = vector.broadcast %min3A : f32 to vector<64x8192xf32>
    %sub3A_17 = arith.subf %get3A_16, %sub3A : vector<64x8192xf32>
    %abs3A = math.absf %sub3A_17 : vector<64x8192xf32>
    %neg3A = arith.constant 0.000000e+00 : f32
    %neg3A_18 = vector.broadcast %neg3A : f32 to vector<64x8192xf32>
    %neg3A_19 = arith.subf %neg3A_18, %abs3A : vector<64x8192xf32>
    %exp3A = math.exp %neg3A_19 : vector<64x8192xf32>
    %add3A = arith.constant 1.000000e+00 : f32
    %add3A_20 = vector.broadcast %add3A : f32 to vector<64x8192xf32>
    %add3A_21 = arith.addf %add3A_20, %exp3A : vector<64x8192xf32>
    %div3A = arith.constant 1.000000e+00 : f32
    %div3A_22 = vector.broadcast %div3A : f32 to vector<64x8192xf32>
    %div3A_23 = arith.divf %div3A_22, %add3A_21 : vector<64x8192xf32>
    %ge3A = arith.constant 0.000000e+00 : f32
    %ge3A_24 = vector.broadcast %ge3A : f32 to vector<64x8192xf32>
    %ge3A_25 = arith.cmpf oge, %sub3A_17, %ge3A_24 : vector<64x8192xf32>
    %sub3A_26 = arith.constant 1.000000e+00 : f32
    %sub3A_27 = vector.broadcast %sub3A_26 : f32 to vector<64x8192xf32>
    %sub3A_28 = arith.subf %sub3A_27, %div3A_23 : vector<64x8192xf32>
    %select_n3A = arith.select %ge3A_25, %div3A_23, %sub3A_28 : vector<64x8192xi1>, vector<64x8192xf32>
    %swap3A = arith.constant 0 : index
    %swap3A_29 = arith.constant 0 : index
    %swap3A_30 = vector.load %arg4[%swap3A, %swap3A_29] : memref<64x8192xf32, #tpu.memory_space<vmem>>, vector<64x8192xf32>
    tpu.vector_store %arg4[%swap3A, %swap3A_29], %select_n3A {strides = array<i32>} : memref<64x8192xf32, #tpu.memory_space<vmem>>, vector<64x8192xf32>,
    return
  }
  func.func @transform_0(%arg0: i32) -> (i32, i32) {
    %c0_i32 = arith.constant 0 : i32
    %c0_i32_0 = arith.constant 0 : i32
    %c0_i32_1 = arith.constant 0 : i32
    return %c0_i32, %c0_i32_0 : i32, i32
  }
  func.func @transform_1(%arg0: i32) -> (i32, i32) {
    %c0_i32 = arith.constant 0 : i32
    %c0_i32_0 = arith.constant 0 : i32
    %c0_i32_1 = arith.constant 0 : i32
    return %c0_i32, %c0_i32_0 : i32, i32
  }
  func.func @transform_2(%arg0: i32) -> (i32, i32) {
    %c0_i32 = arith.constant 0 : i32
    %c0_i32_0 = arith.constant 0 : i32
    return %c0_i32, %arg0 : i32, i32
  }
  func.func @transform_3(%arg0: i32) -> (i32, i32) {
    %c0_i32 = arith.constant 0 : i32
    %c0_i32_0 = arith.constant 0 : i32
    return %c0_i32, %arg0 : i32, i32
  }
}

module attributes {stable_mosaic.version = 14 : i64} {
  func.func @_tc_select_body(%arg0: i32, %arg1: memref<1x1xf32, #tpu.memory_space<smem>>, %arg2: memref<32x32768xf32, #tpu.memory_space<vmem>>, %arg3: memref<32x16xf32, #tpu.memory_space<vmem>>) attributes {dimension_semantics = [#tpu.dimension_semantics<arbitrary>], iteration_bounds = array<i64: 1>, scalar_prefetch = 0 : i64, scratch_operands = 0 : i64, tpu.core_type = #tpu.core_type<tc>, window_params = [{transform_indices = @transform_0, window_bounds = array<i64: 1, 1>}, {transform_indices = @transform_1, window_bounds = array<i64: 32, 32768>}, {pipeline_mode = #tpu.pipeline_mode<synchronous>, transform_indices = @transform_2, window_bounds = array<i64: 32, 16>}]} {
    %get3A = arith.constant 0 : index
    %get3A_0 = arith.constant 0 : index
    %get3A_1 = vector.load %arg2[%get3A, %get3A_0] : memref<32x32768xf32, #tpu.memory_space<vmem>>, vector<32x32768xf32>
    %get3A_2 = arith.constant 0 : index
    %get3A_3 = arith.constant 0 : index
    %get3A_4 = memref.load %arg1[%get3A_2, %get3A_3] : memref<1x1xf32, #tpu.memory_space<smem>>
    %neg3A = arith.constant 0.000000e+00 : f32
    %neg3A_5 = arith.subf %neg3A, %get3A_4 : f32
    %exp3A = math.exp %neg3A_5 : f32
    %add3A = arith.constant 1.000000e+00 : f32
    %add3A_6 = arith.addf %add3A, %exp3A : f32
    %div3A = arith.constant 1.000000e+00 : f32
    %div3A_7 = arith.divf %div3A, %add3A_6 : f32
    %sub3A = arith.constant 1.000000e+00 : f32
    %sub3A_8 = arith.subf %sub3A, %div3A_7 : f32
    %mul3A = arith.constant 3.276800e+04 : f32
    %mul3A_9 = arith.mulf %mul3A, %sub3A_8 : f32
    %floor3A = math.floor %mul3A_9 : f32
    %convert_element_type3A = arith.fptosi %floor3A : f32 to i32
    %bitcast_convert_type3A = tpu.bitcast %get3A_1 : vector<32x32768xf32> -> vector<32x32768xi32>
    %lt3A = arith.constant 0 : i32
    %lt3A_10 = vector.broadcast %lt3A : i32 to vector<32x32768xi32>
    %lt3A_11 = arith.cmpi slt, %bitcast_convert_type3A, %lt3A_10 : vector<32x32768xi32>
    %xor3A = arith.constant 2147483647 : i32
    %xor3A_12 = vector.broadcast %xor3A : i32 to vector<32x32768xi32>
    %xor3A_13 = arith.xori %bitcast_convert_type3A, %xor3A_12 : vector<32x32768xi32>
    %select_n3A = arith.select %lt3A_11, %xor3A_13, %bitcast_convert_type3A : vector<32x32768xi1>, vector<32x32768xi32>
    %broadcast_in_dim3A = arith.constant 0 : i32
    %broadcast_in_dim3A_14 = vector.broadcast %broadcast_in_dim3A : i32 to vector<32x1xi32>
    %scan3A = arith.constant 0 : i32
    %scan3A_15 = arith.constant 18 : i32
    %scan3A_16 = arith.addi %scan3A, %scan3A_15 : i32
    %scan3A_17 = arith.constant 1 : i32
    %scan3A_18 = scf.for %scan3A_35 = %scan3A to %scan3A_16 step %scan3A_17 iter_args(%scan3A_36 = %broadcast_in_dim3A_14) -> (vector<32x1xi32>)  : i32 {
      %sub3A_37 = arith.constant 31 : i32
      %sub3A_38 = arith.subi %sub3A_37, %scan3A_35 : i32
      %shift_left3A = arith.constant 1 : i32
      %shift_left3A_39 = arith.shli %shift_left3A, %sub3A_38 : i32
      %or3A = vector.broadcast %shift_left3A_39 : i32 to vector<32x1xi32>
      %or3A_40 = arith.ori %scan3A_36, %or3A : vector<32x1xi32>
      %xor3A_41 = arith.constant -2147483648 : i32
      %xor3A_42 = vector.broadcast %xor3A_41 : i32 to vector<32x1xi32>
      %xor3A_43 = arith.xori %or3A_40, %xor3A_42 : vector<32x1xi32>
      %ge3A = vector.broadcast %xor3A_43 : vector<32x1xi32> to vector<32x32768xi32>
      %ge3A_44 = arith.cmpi sge, %select_n3A, %ge3A : vector<32x32768xi32>
      %convert_element_type3A_45 = arith.extui %ge3A_44 : vector<32x32768xi1> to vector<32x32768xi32>
      %reduce_sum3A = arith.constant dense<0> : vector<32xi32>
      %reduce_sum3A_46 = vector.multi_reduction <add>, %convert_element_type3A_45, %reduce_sum3A [1] : vector<32x32768xi32> to vector<32xi32>
      %broadcast_in_dim3A_47 = vector.shape_cast %reduce_sum3A_46 : vector<32xi32> to vector<32x1xi32>
      %ge3A_48 = vector.broadcast %convert_element_type3A : i32 to vector<32x1xi32>
      %ge3A_49 = arith.cmpi sge, %broadcast_in_dim3A_47, %ge3A_48 : vector<32x1xi32>
      %select_n3A_50 = arith.select %ge3A_49, %or3A_40, %scan3A_36 : vector<32x1xi1>, vector<32x1xi32>
      scf.yield %select_n3A_50 : vector<32x1xi32>
    }
    %scan3A_19 = arith.constant 18 : i32
    %xor3A_20 = arith.constant -2147483648 : i32
    %xor3A_21 = vector.broadcast %xor3A_20 : i32 to vector<32x1xi32>
    %xor3A_22 = arith.xori %scan3A_18, %xor3A_21 : vector<32x1xi32>
    %lt3A_23 = arith.constant 0 : i32
    %lt3A_24 = vector.broadcast %lt3A_23 : i32 to vector<32x1xi32>
    %lt3A_25 = arith.cmpi slt, %xor3A_22, %lt3A_24 : vector<32x1xi32>
    %xor3A_26 = arith.constant 2147483647 : i32
    %xor3A_27 = vector.broadcast %xor3A_26 : i32 to vector<32x1xi32>
    %xor3A_28 = arith.xori %xor3A_22, %xor3A_27 : vector<32x1xi32>
    %select_n3A_29 = arith.select %lt3A_25, %xor3A_28, %xor3A_22 : vector<32x1xi1>, vector<32x1xi32>
    %bitcast_convert_type3A_30 = tpu.bitcast %select_n3A_29 : vector<32x1xi32> -> vector<32x1xf32>
    %broadcast_in_dim3A_31 = vector.shape_cast %bitcast_convert_type3A_30 : vector<32x1xf32> to vector<32x1xf32>
    %broadcast_in_dim3A_32 = vector.broadcast %broadcast_in_dim3A_31 : vector<32x1xf32> to vector<32x16xf32>
    %swap3A = arith.constant 0 : index
    %swap3A_33 = arith.constant 0 : index
    %swap3A_34 = vector.load %arg3[%swap3A, %swap3A_33] : memref<32x16xf32, #tpu.memory_space<vmem>>, vector<32x16xf32>
    tpu.vector_store %arg3[%swap3A, %swap3A_33], %broadcast_in_dim3A_32 {strides = array<i32>} : memref<32x16xf32, #tpu.memory_space<vmem>>, vector<32x16xf32>,
    return
  }
  func.func @transform_0(%arg0: i32) -> (i32, i32) {
    %c0_i32 = arith.constant 0 : i32
    %c0_i32_0 = arith.constant 0 : i32
    %c0_i32_1 = arith.constant 0 : i32
    return %c0_i32, %c0_i32_0 : i32, i32
  }
  func.func @transform_1(%arg0: i32) -> (i32, i32) {
    %c1_i32 = arith.constant 1 : i32
    %c0_i32 = arith.constant 0 : i32
    %c0_i32_0 = arith.constant 0 : i32
    return %c1_i32, %c0_i32 : i32, i32
  }
  func.func @transform_2(%arg0: i32) -> (i32, i32) {
    %c0_i32 = arith.constant 0 : i32
    %c0_i32_0 = arith.constant 0 : i32
    %c0_i32_1 = arith.constant 0 : i32
    return %c0_i32, %c0_i32_0 : i32, i32
  }
}

</mosaic_0001>

<sc_bundles>
// kernel: kernel.5.cloned.1.call-start
scs
__scs_entry_jumppad:
0x0: {  	(pc) =	sbr.rel $0x88, $3  }
0x1: {  	(tag) =	ssettag $0x0;
	lr =	simm.s32 $0x1  }
0x2: {  	[smem:$0x3F9F] =	sst lr;
	_ =	strace $0xD0000000  }
0x3: {  	_ = 	snop  }
0x4: {  	_ = 	snop  }
0x5: {  	_ = 	snop  }
0x6: {  	_ = 	snop  }
0x7: {  	_ = 	snop  }
__scs_overlays_trampoline_lowered:
0x8: {  	[smem:$0x3FAE] =	sst s0  }
0x9: {  	[smem:$0x3FAF] =	sst s1  }
0xa: {  	[smem:$0x3FB0] =	sst s2  }
0xb: {  	[smem:$0x3FB1] =	sst s3  }
0xc: {  	[smem:$0x3FB2] =	sst s4  }
0xd: {  	[smem:$0x3FB3] =	sst s5  }
0xe: {  	[smem:$0x3FB4] =	sst s6  }
0xf: {  	[smem:$0x3FB5] =	sst s7  }
0x10: {  	[smem:$0x3FB6] =	sst s8  }
0x11: {  	[smem:$0x3FB7] =	sst s9;
	s0 =	simm.s32 @!p0 $0x0  }
0x12: {  	s1 =	sld [smem:$0x3F9D];
	s0 =	simm.s32 @p0 $0x1  }
0x13: {  	[smem:$0x3FB8] =	sst s0;
	s0 =	simm.s32 @!p1 $0x0  }
0x14: {  	s2 =	sld [smem:$0x3F9C];
	s0 =	simm.s32 @p1 $0x1  }
0x15: {  	[smem:$0x3FB9] =	sst s0;
	s0 =	simm.s32 @!p2 $0x0  }
0x16: {  	s3 =	sld [smem:$0x3FDB];
	s0 =	simm.s32 @p2 $0x1  }
0x17: {  	s4 =	simm.s32 $0x1BF5;
	[smem:$0x3FBB] =	sst s0  }
0x18: {  	s0 =	sld [smem:$0x3F9E];
	_ =	swait.ge [sflag:s4], $0x0  }
0x19: {  	s7 =	sld [smem:$0x3F9F]  }
0x1a: {  	s8 =	sadd.s32 $0xFFFFE003, lr  }
0x1b: {  	s9 =	sadd.s32 $0xFFFFFEF7, lr;
	s5 =	simm.s32 $0xFFFFFFFF;
	p2 =	slt.u32 s8, $0xFFFFF086  }
0x1c: {  	p1 =	slt.u32 s9, $0xF7A;
	s5 =	simm.s32 @!p2 $0x0  }
0x1d: {  	s5 =	simm.s32 @p1 $0x1;
	p0 =	seq.s32 s7, s2  }
0x1e: {  	s7 =	smul.u32 @!p0 $0xF7A, s2;
	p2 =	seq.s32 @!p0 s5, $0x0  }
0x1f: {  	s9 =	smul.u32 $0xF7A, s1;
	s8 =	simm.s32 @!p0 $0x1BF5;
	p2 =	por !p2, p0  }
0x20: {  	[sflag:s8] =	ssyncset.s32 @!p0 $0xFFFFF086;
	s6 =	sadd.s32 @!p0 s3, s7;
	s7 =	simm.s32 @!p0 $0x108  }
0x21: {  	s3 =	sadd.s32 s3, s9;
	s6 =	sadd.s32 @!p0 $0x88, s6;
	s7 =	simm.s32 @p2 $0x1082  }
0x22: {  	[simem:s7], [sflag:s8] =	dma.local @!p0 [hbm:s6], $0xF7A  }
0x23: {  	s9 =	sor.u32 $0xD0000000, s2;
	s6 =	simm.s32 $0x108;
	_ =	swait.ge @!p0 [sflag:s8], $0x0  }
0x24: {  	s3 =	sadd.s32 $0x88, s3;
	s6 =	simm.s32 @!p1 $0x1082;
	[sflag:s4] =	ssyncset.s32 $0xFFFFF086  }
0x25: {  	[simem:s6], [sflag:s4] =	dma.local [hbm:s3], $0xF7A  }
0x26: {  	[smem:$0x3F9F] =	sst s1;
	(tag) =	ssettag s2;
	_ =	strace s9  }
0x27: {  	s1 =	sld [smem:$0x3FAF]  }
0x28: {  	s2 =	sld [smem:$0x3FB0]  }
0x29: {  	s4 =	sld [smem:$0x3FB2]  }
0x2a: {  	p0 =	seq.s32 s5, $0x0;
	s5 =	sld [smem:$0x3FB3]  }
0x2b: {  	s6 =	sld [smem:$0x3FB4]  }
0x2c: {  	s7 =	sld [smem:$0x3FB5]  }
0x2d: {  	s3 =	simm.s32 $0x108;
	s8 =	sld [smem:$0x3FB6]  }
0x2e: {  	s3 =	simm.s32 @!p0 $0x1082;
	s9 =	sld [smem:$0x3FB7]  }
0x2f: {  	lr =	sadd.s32 s0, s3;
	s0 =	sld [smem:$0x3FAE]  }
0x30: {  	s3 =	sld [smem:$0x3FB1]  }
0x31: {  	[smem:$0x3FBA] =	sst s10  }
0x32: {  	s10 =	sld [smem:$0x3FB8];
	_ =	sdelay $0x3  }
0x33: {  	p0 =	seq.s32 s10, $0x1;
	s10 =	sld [smem:$0x3FBA];
	_ =	sdelay $0x3  }
0x34: {  	[smem:$0x3FBA] =	sst s10  }
0x35: {  	s10 =	sld [smem:$0x3FB9];
	_ =	sdelay $0x3  }
0x36: {  	p1 =	seq.s32 s10, $0x1;
	s10 =	sld [smem:$0x3FBA];
	_ =	sdelay $0x3  }
0x37: {  	[smem:$0x3FBA] =	sst s10  }
0x38: {  	s10 =	sld [smem:$0x3FBB]  }
0x39: {  	_ = 	snop;
	(pc) =	sbr.ind lr, $3  }
0x3a: {  	_ = 	snop  }
0x3b: {  	_ = 	snop  }
0x3c: {  	p2 =	seq.s32 s10, $0x1;
	s10 =	sld [smem:$0x3FBA]  }
0x3d: {  	_ =	shalt  }
0x3e: {  	_ =	shalt  }
0x3f: {  	_ =	shalt  }
0x40: {  	_ =	shalt  }
0x41: {  	_ =	shalt  }
0x42: {  	_ =	shalt  }
0x43: {  	_ =	shalt  }
0x44: {  	_ =	shalt  }
0x45: {  	_ =	shalt  }
0x46: {  	_ =	shalt  }
0x47: {  	_ =	shalt  }
0x48: {  	_ =	shalt  }
0x49: {  	_ =	shalt  }
0x4a: {  	_ =	shalt  }
0x4b: {  	_ =	shalt  }
0x4c: {  	_ =	shalt  }
0x4d: {  	_ =	shalt  }
0x4e: {  	_ =	shalt  }
0x4f: {  	_ =	shalt  }
0x50: {  	_ =	shalt  }
0x51: {  	_ =	shalt  }
0x52: {  	_ =	shalt  }
0x53: {  	_ =	shalt  }
0x54: {  	_ =	shalt  }
0x55: {  	_ =	shalt  }
0x56: {  	_ =	shalt  }
0x57: {  	_ =	shalt  }
0x58: {  	_ =	shalt  }
0x59: {  	_ =	shalt  }
0x5a: {  	_ =	shalt  }
0x5b: {  	_ =	shalt  }
0x5c: {  	_ =	shalt  }
0x5d: {  	_ =	shalt  }
0x5e: {  	_ =	shalt  }
0x5f: {  	_ =	shalt  }
0x60: {  	_ =	shalt  }
0x61: {  	_ =	shalt  }
0x62: {  	_ =	shalt  }
0x63: {  	_ =	shalt  }
0x64: {  	_ =	shalt  }
0x65: {  	_ =	shalt  }
0x66: {  	_ =	shalt  }
0x67: {  	_ =	shalt  }
0x68: {  	_ =	shalt  }
0x69: {  	_ =	shalt  }
0x6a: {  	_ =	shalt  }
0x6b: {  	_ =	shalt  }
0x6c: {  	_ =	shalt  }
0x6d: {  	_ =	shalt  }
0x6e: {  	_ =	shalt  }
0x6f: {  	_ =	shalt  }
0x70: {  	_ =	shalt  }
0x71: {  	_ =	shalt  }
0x72: {  	_ =	shalt  }
0x73: {  	_ =	shalt  }
0x74: {  	_ =	shalt  }
0x75: {  	_ =	shalt  }
0x76: {  	_ =	shalt  }
0x77: {  	_ =	shalt  }
0x78: {  	_ =	shalt  }
0x79: {  	_ =	shalt  }
0x7a: {  	_ =	shalt  }
0x7b: {  	_ =	shalt  }
0x7c: {  	_ =	shalt  }
0x7d: {  	_ =	shalt  }
0x7e: {  	_ =	shalt  }
0x7f: {  	_ =	shalt  }
0x80: {  	_ =	shalt  }
0x81: {  	_ =	shalt  }
0x82: {  	_ =	shalt  }
0x83: {  	_ =	shalt  }
0x84: {  	_ =	shalt  }
0x85: {  	_ =	shalt  }
0x86: {  	_ =	shalt  }
0x87: {  	_ =	shalt  }
.Lfunc_end0:
.L_simem_size_0:
called_computation_lowered:
.L_overlay_start_0:
0x88: {  	s2 =	sld [smem:$0x3FD9]  }
0x89: {  	s3 =	sld [smem:$0x3FFE];
	_ =	sdelay $0x1  }
0x8a: {  	s1 =	srdreg.scid  }
0x8b: {  	s0 =	sand.u32 $0x1, s1  }
0x8c: {  	s17 =	sshll.u32 s0, $0xA;
	s2 =	sadd.s32 s3, s2  }
0x8d: {  	s2 =	sadd.s32 s2, s17  }
0x8e: {  	[smem:$0x3FC6] =	sst s2  }
0x8f: {  	_ = 	snop  }
0x90: {  	s2 =	sld [smem:$0x3FC9]  }
0x91: {  	s18 =	sld [smem:$0x3FD0];
	(tm) =	ssettm $0x1  }
0x92: {  	s4 =	sld [smem:$0x3FFB];
	_ =	sdelay $0x3  }
0x93: {  	_ =	strace s4  }
0x94: {  	s4 =	sld [smem:$0x3FFC];
	_ =	sdelay $0x3  }
0x95: {  	_ =	strace s4  }
0x96: {  	s4 =	sld [smem:$0x3FFD];
	_ =	sdelay $0x3  }
0x97: {  	_ =	strace s4  }
0x98: {  	_ =	strace $0x8FFFFFFF  }
0x99: {  	s19 =	sld [smem:$0x3FDB];
	_ =	sdelay $0x1  }
0x9a: {  	s5 =	simm.s32 $_scs_section_size  }
0x9b: {  	s6 =	simm.s32 $_size__tile_overlayer_lowered;
	s7 =	simm.s32 $_tile_overlayer_lowered  }
0x9c: {  	s22 =	simm.s32 $0x1BFF;
	s21 =	sshll.u32 s7, $0x1;
	s4 =	sadd.s32 s5, s19  }
0x9d: {  	s8 =	simm.s32 $0x0;
	s20 =	sshll.u32 s6, $0x1;
	s6 =	sadd.s32 s21, s4  }
0x9e: {  	[timem:s8], [sflag:s22] =	dma.local [hbm:s6], s20  }
0x9f: {  	_ =	swait.ge [sflag:s22], s20  }
0xa0: {  	s5 =	ssub.s32 $0x0, s20;
	[sflag:s22] =	ssyncset.done $0x0  }
0xa1: {  	[sflag:s22] =	ssyncadd.s32 s5;
	_ =	sdelay $0x1  }
0xa2: {  	s23 =	simm.s32 $0x1B8B  }
0xa3: {  	_ =	swait.ge [sflag:s23], $0x1  }
0xa4: {  	[sflag:s23] =	ssyncset.done $0x0  }
0xa5: {  	s25 =	simm.s32 $0x1B8E;
	s24 =	sld [smem:$0x3FFE];
	[sflag:s23] =	ssyncadd.s32 $0xFFFFFFFF  }
0xa6: {  	s26 =	simm.s32 $execute0_lowered;
	[smem:$0x3FD2] =	sst s25  }
0xa7: {  	s6 =	sshll.u32 s26, $0x1;
	_ =	strace $0x80000046;
	[dreg:$0x1] =	wrdreg $0xFFFFFFFF  }
0xa8: {  	s28 =	simm.s32 $_size_execute0_lowered;
	s4 =	sadd.s32 s4, s6;
	[dreg:$0x0] =	wrdreg $0x0  }
0xa9: {  	s6 =	sshll.u32 s28, $0x1;
	[dreg:$0x2] =	wrdreg s4  }
0xaa: {  	[dreg:$0x3] =	wrdreg s6  }
0xab: {  	[dreg:$0x4] =	wrdreg $0xC0  }
0xac: {  	_ =	task [dreg:s8], $0x5FFFF  }
0xad: {  	[dreg:$0x1] =	wrdreg $0xFFFFFFFF  }
0xae: {  	[dreg:$0x0] =	wrdreg $0x60  }
0xaf: {  	[dreg:$0x2] =	wrdreg s2  }
0xb0: {  	[dreg:$0x3] =	wrdreg s24  }
0xb1: {  	[dreg:$0x4] =	wrdreg s18  }
0xb2: {  	[dreg:$0x5] =	wrdreg $0x9  }
0xb3: {  	_ =	task.clear_ibuf [dreg:s8], $0x6FFFF;
	_ =	strace $0x90000046  }
0xb4: {  	s29 =	simm.s32 $0x9;
	_ =	strace $0x80000048  }
0xb5: {  	_ =	swait.ge [sflag:s29], $0x1  }
0xb6: {  	[sflag:s29] =	ssyncadd.s32 $0xFFFFFFFF  }
0xb7: {  	_ =	strace $0x90000048  }
0xb8: {  	_ =	sfence  }
0xb9: {  	s30 =	sld [smem:$0x0];
	_ =	sdelay $0x2  }
0xba: {  	s31 =	sshll.u32 s1, $0xD;
	s1 =	sshrl.u32 s1, $0x2  }
0xbb: {  	s3 =	sand.u32 $0x4000, s31;
	s1 =	sadd.s32 s1, s30  }
0xbc: {  	s0 =	sor.u32 s3, s0;
	s1 =	sshll.u32 s1, $0x11  }
0xbd: {  	s0 =	sor.u32 s1, s0  }
0xbe: {  	s0 =	sadd.s32 $0x8F2B, s0  }
0xbf: {  	[sflag:s0] =	ssyncadd.remote.s32 $0x1  }
0xc0: {  	_ =	sfence.sel $0xFFFF  }
0xc1: {  	[dreg:$0x0] =	wrdreg $0xFFFFFFFF;
	(pc) =	sbr.abs _section_cstart, $3  }
0xc2: {  	[dreg:$0x1] =	wrdreg $0xFFFFFFFF  }
0xc3: {  	_ =	task.clear_ibuf [dreg:s8], $0x2FFFF;
	_ =	strace $0x9FFFFFFF  }
0xc4: {  	(tm) =	ssettm $0x7FFFFFFF  }
0xc5: {  	_ =	shalt  }
tec
execute0_lowered:
.L_overlay_start_1:
0x0: {  	(tag) =	ssettag $0x1  }
0x1: {  	s4 =	rddreg [dreg:$0x0]  }
0x2: {  	s3 =	rddreg [dreg:$0x1]  }
0x3: {  	s5 =	rddreg [dreg:$0x2]  }
0x4: {  	s0 =	rddreg [dreg:$0x3];
	s2 =	simm.s32 $0x0;
	s6 =	srdreg.scid  }
0x5: {  	s1 =	stileid.u32;
	s10 =	simm.s32 $0x2;
	s11 =	simm.s32 $0x1  }
0x6: {  	s12 =	simm.s32 $0x8000;
	s13 =	simm.s32 $0x8880;
	s14 =	simm.s32 $0x0  }
0x7: {  	[smem:$0x7FF] =	sst s2;
	s3 =	sadd.s32 $0xA00, s3;
	s6 =	sand.u32 $0x1, s6  }
0x8: {  	s7 =	sshll.u32 s1, $0x8;
	s8 =	sshrl.u32 s1, $0x2;
	_ =	strace $0x80000047  }
0x9: {  	s9 =	sshll.u32 s6, $0x7;
	s7 =	sand.u32 $0x300, s7;
	s30 =	sshll.u32 s8, $0x12  }
0xa: {  	s8 =	sshll.u32 s8, $0xA;
	s6 =	ssub.s32 $0x2, s6;
	s7 =	sor.u32 s9, s7  }
0xb: {  	v0 =	vlaneseq.u32;
	s31 =	sshrl.u32 s6, $0x1;
	s9 =	sor.u32 s30, s7;
	s7 =	sor.u32 s8, s7  }
0xc: {  	v2 =	vmul.u32 $0xFFFFFFFF, v0;
	s6 =	ssub.s32 s6, s31;
	s8 =	simm.s32 $0x400;
	s9 =	sshrl.u32 s9, $0x3  }
0xd: {  	v1 =	vimm.s32 $0x1;
	v3 =	vimm.s32 $0xF;
	s7 =	sshrl.u32 s7, $0x3;
	s6 =	smax.u32 s6, $0x1;
	s4 =	sadd.s32 s4, s9  }
0xe: {  	v4 =	vimm.s32 $0x80000000;
	v0 =	vimm.s32 $0x0;
	v2 =	vadd.s32 $0xF, v2;
	s5 =	sadd.s32 s5, s7;
	s7 =	simm.s32 $0x80;
	s9 =	simm.s32 $0x8800  }
.LBB2_1:
0xf: {  	[tilespmem:s2], [sflag:$0x1] =	stream.strided.gather [hbm4b:s4+s7], $0x8000, s8, s7, $0x38;
	[tilespmem:$0x8900] =	vst v63  }
0x10: {  	_ = 	snop  }
0x11: {  	[tilespmem:s9], [sflag:$0x2] =	stream.linear.gather [hbm4b:s3+s2], $0x80, $0x38;
	[tilespmem:$0x8900] =	vst v63  }
0x12: {  	_ =	swait.ge [sflag:s10], $0x80  }
0x13: {  	[sflag:s10] =	ssyncset.done $0x0  }
0x14: {  	s15 =	simm.s32 $0x8020;
	[sflag:s10] =	ssyncadd.s32 $0xFFFFFF80  }
0x15: {  	v5 =	vld [tilespmem:$0x8800];
	[tilespmem:s15+$0xFFFFFFE0] =	vst v0  }
0x16: {  	[tilespmem:s15+$0x10] =	vst v0  }
0x17: {  	s16 =	simm.s32 $0x0;
	[tilespmem:s15+$0x0] =	vst v0  }
.LBB2_2:
0x18: {  	s16 =	sadd.s32 $0x4, s16  }
0x19: {  	[tilespmem:s15+$0xFFFFFFF0] =	vst v0;
	s15 =	sadd.s32 $0x40, s15;
	p0 =	slt.u32 s16, $0x7C  }
.Ltmp0:
0x1a: {  	[tilespmem:s15+$0xFFFFFFE0] =	vst v0;
	(pc) =	sbr.rel @p0 .LBB2_2-.Ltmp0, $3  }
0x1b: {  	_ =	sdelay $0x1  }
0x1c: {  	[tilespmem:s15+$0x10] =	vst v0  }
0x1d: {  	[tilespmem:s15+$0x0] =	vst v0  }
0x1e: {  	[tilespmem:s15+$0xFFFFFFF0] =	vst v0  }
0x1f: {  	_ =	swait.ge [sflag:s11], $0x8000  }
0x20: {  	[sflag:s11] =	ssyncset.done $0x0  }
0x21: {  	s16 =	simm.s32 $0x20;
	[sflag:s11] =	ssyncadd.s32 $0xFFFF8000  }
0x22: {  	v6 =	vld [tilespmem:s16+$0x10];
	_ =	sdelay $0x1  }
0x23: {  	v10 =	vld [tilespmem:s16+$0xFFFFFFF0]  }
0x24: {  	v8 =	vld [tilespmem:s16+$0x0]  }
0x25: {  	v9 =	vld [tilespmem:s16+$0xFFFFFFE0]  }
0x26: {  	v7 =	vshrl.u32 v6, $0x15;
	_ =	sdelay $0x1  }
0x27: {  	s15 =	simm.s32 $0x0;
	s16 =	simm.s32 $0x60;
	v6 =	vshrl.u32 v10, $0x15  }
.LBB2_4:
0x28: {  	v10 =	vld [tilespmem:s16+$0x10];
	s15 =	sadd.s32 $0x4, s15;
	v11 =	vshrl.u32 v8, $0x15  }
0x29: {  	v12 =	vld [tilespmem:s16+$0xFFFFFFF0];
	p0 =	slt.u32 s15, $0x7FC;
	v13 =	vshrl.u32 v9, $0x15  }
0x2a: {  	[tilespmem:v7+s12+$0x0] =	vst.idx.add.s32.msk $0xffff, v1  }
.Ltmp1:
0x2b: {  	v8 =	vld [tilespmem:s16+$0x0];
	(pc) =	sbr.rel @p0 .LBB2_4-.Ltmp1, $4  }
0x2c: {  	v9 =	vld [tilespmem:s16+$0xFFFFFFE0]  }
0x2d: {  	v7 =	vshrl.u32 v10, $0x15;
	[tilespmem:v6+s12+$0x0] =	vst.idx.add.s32.msk $0xffff, v1  }
0x2e: {  	v6 =	vshrl.u32 v12, $0x15;
	[tilespmem:v13+s12+$0x0] =	vst.idx.add.s32.msk $0xffff, v1  }
0x2f: {  	s16 =	sadd.s32 $0x40, s16;
	[tilespmem:v11+s12+$0x0] =	vst.idx.add.s32.msk $0xffff, v1  }
0x30: {  	v5 =	vsub.f32 $0.0e+00, v5;
	_ =	sdelay $0x1  }
0x31: {  	v5 =	vmul.f32 $1.442695020e+00, v5;
	_ =	sdelay $0x1  }
0x32: {  	(erf) = vpow2.f32 v5;
	_ =	sdelay $0x8  }
0x33: {  	v8 =	vshrl.u32 v8, $0x15;
	v5 =	vpop (erf)  }
0x34: {  	v9 =	vshrl.u32 v9, $0x15;
	v5 =	vadd.f32 $1.000000000e+00, v5;
	_ =	sdelay $0x1  }
0x35: {  	[tilespmem:v7+s12+$0x0] =	vst.idx.add.s32.msk $0xffff, v1;
	(erf) = vrcp.f32 v5  }
0x36: {  	[tilespmem:v6+s12+$0x0] =	vst.idx.add.s32.msk $0xffff, v1  }
0x37: {  	s16 =	simm.s32 $0x7F0;
	s15 =	simm.s32 $0xFFFFFC00;
	p0 =	por $0x1, $0x1;
	[tilespmem:v8+s12+$0x0] =	vst.idx.add.s32.msk $0xffff, v1  }
0x38: {  	s15 =	smov.u32 @p0 s16;
	[tilespmem:v9+s12+$0x0] =	vst.idx.add.s32.msk $0xffff, v1  }
0x39: {  	v5 =	vld [tilespmem:s15+$0x8000];
	_ =	sdelay $0x4  }
0x3a: {  	s17 =	simm.s32 $0x7E0;
	p0 =	por $0x1, $0x1;
	s16 =	simm.s32 $0xFFFFFC10;
	v7 =	vperm.xlane v5, v2;
	v6 =	vpop (erf)  }
0x3b: {  	p5 =	por $0x1, $0x1;
	s16 =	smov.u32 @p0 s17;
	v6 =	vsub.f32 $1.000000000e+00, v6  }
0x3c: {  	v5 =	vpsel p5, v7, v5;
	v7 =	vld [tilespmem:s16+$0x8000]  }
0x3d: {  	v6 =	vmul.f32 $3.276800000e+04, v6  }
0x3e: {  	(xrf0) =	vadd.scan.msk.s32 $0xffff, v5  }
0x3f: {  	v5 =	vtrunc.f32 v6  }
0x40: {  	s18 =	simm.s32 $0x7D0;
	p0 =	por $0x1, $0x1;
	s17 =	simm.s32 $0xFFFFFC20;
	v5 =	vcvt.f32.s32 v5  }
0x41: {  	s17 =	smov.u32 @p0 s18;
	v9 =	vperm.xlane v7, v2  }
0x42: {  	p6 =	por $0x1, $0x1;
	v11 =	vld [tilespmem:s17+$0x8000];
	vm0 =	vgt.s32 v5, $0x1  }
0x43: {  	v7 =	vpsel p6, v9, v7;
	v5 =	vnsel vm0, $0x1, v5  }
0x44: {  	v6 =	vimm.s32 $0x0;
	v10, _, _ =	vpop (xrf0);
	(xrf0) =	vadd.scan.msk.s32 $0xffff, v7;
	v8 =	vmax.u32 v5, $0x8000  }
0x45: {  	v5 =	vsub.s32 v8, v5;
	v8 =	vadd.s32 v6, v10  }
0x46: {  	s21 =	simm.s32 $0x7C0;
	p0 =	por $0x1, $0x1;
	s18 =	simm.s32 $0xFFFFFC30;
	vm0 =	vle.s32 v8, v5  }
0x47: {  	s19 =	simm.s32 $0x7B0;
	s20 =	simm.s32 $0x3;
	s18 =	smov.u32 @p0 s21;
	v13 =	vperm.xlane v11, v2;
	v12 =	vnsel vm0, $0x0, v8;
	v7 =	vmpcnt.ones.xlane vm0  }
0x48: {  	p1 =	por $0x1, $0x1;
	s22 =	simm.s32 $0x3;
	s21 =	simm.s32 $0xFFFFFC30;
	v10 =	vld [tilespmem:s18+$0x8000];
	v9 =	vperm.xlane v8, v3;
	v8 =	vimm.s32 $0x0;
	vm0 =	vgt.s32 v6, v12  }
.LBB2_6:
0x49: {  	p0 =	sne.s32 s19, $0x0;
	v11 =	vpsel p1, v13, v11;
	v6 =	vadd.s32 v6, v7;
	v8 =	vsel vm0, v8, v12;
	[tilespmem:s15+$0x8000] =	vst v0;
	s23 =	smov.u32 s19;
	s19 =	sadd.s32 $0xFFFFFFF0, s19  }
.Ltmp2:
0x4a: {  	s15 =	smov.u32 s16;
	s16 =	smov.u32 s17;
	(xrf0) =	vadd.scan.msk.s32 $0xffff, v11;
	v7, _, _ =	vpop (xrf0);
	(pc) =	sbr.rel @p0 .LBB2_6-.Ltmp2, $4  }
0x4b: {  	s20 =	sadd.s32 $0x1, s20;
	s17 =	smov.u32 s18;
	s21 =	sadd.s32 $0x10, s21;
	v14 =	vadd.s32 v9, v7  }
0x4c: {  	p1 =	slt.u32 s20, $0x40;
	s18 =	smov.u32 s21;
	vm0 =	vle.s32 v14, v5;
	v9 =	vperm.xlane v14, v3  }
0x4d: {  	s18 =	smov.u32 @p1 s23;
	v13 =	vperm.xlane v10, v2;
	v7 =	vmpcnt.ones.xlane vm0;
	v12 =	vnsel vm0, $0x0, v14;
	v11 =	vmovc v10  }
0x4e: {  	p1 =	slt.s32 s22, $0x40;
	s22 =	smov.u32 s20;
	v10 =	vld [tilespmem:s18+$0x8000];
	vm0 =	vgt.s32 v8, v12  }
0x4f: {  	_ =	sdelay $0x2  }
0x50: {  	v11 =	vpsel p1, v13, v11  }
0x51: {  	(xrf0) =	vadd.scan.msk.s32 $0xffff, v11;
	v11 =	vperm.xlane v10, v2;
	_ =	sdelay $0x1  }
0x52: {  	p0 =	slt.s32 s22, $0x40  }
0x53: {  	v10 =	vpsel p0, v11, v10  }
0x54: {  	v11, _, _ =	vpop (xrf0);
	(xrf0) =	vadd.scan.msk.s32 $0xffff, v10  }
0x55: {  	v9 =	vadd.s32 v9, v11  }
0x56: {  	v10 =	vperm.xlane v9, v3  }
0x57: {  	v11, _, _ =	vpop (xrf0)  }
0x58: {  	vm1 =	vle.s32 v9, v5;
	v10 =	vadd.s32 v10, v11  }
0x59: {  	v8 =	vsel vm0, v8, v12;
	v9 =	vnsel vm1, $0x0, v9;
	v11 =	vperm.xlane v10, v3  }
0x5a: {  	vm0 =	vgt.s32 v8, v9;
	vm2 =	vle.s32 v10, v5;
	v12, _, _ =	vpop (xrf0)  }
0x5b: {  	[tilespmem:s15+$0x8000] =	vst v0;
	v8 =	vsel vm0, v8, v9;
	v9 =	vnsel vm2, $0x0, v10;
	v10 =	vadd.s32 v11, v12  }
0x5c: {  	[tilespmem:s16+$0x8000] =	vst v0;
	vm0 =	vgt.s32 v8, v9;
	vm3 =	vle.s32 v10, v5  }
0x5d: {  	[tilespmem:s17+$0x8000] =	vst v0;
	v8 =	vsel vm0, v8, v9;
	v9 =	vnsel vm3, $0x0, v10  }
0x5e: {  	[tilespmem:s18+$0x8000] =	vst v0;
	s30 =	simm.s32 $0x20;
	vm0 =	vgt.s32 v8, v9  }
0x5f: {  	v12 =	vld [tilespmem:s30+$0xFFFFFFE0];
	v8 =	vsel vm0, v8, v9;
	v9 =	vmpcnt.ones.xlane vm1  }
0x60: {  	v6 =	vadd.s32 v6, v7;
	v7 =	vmpcnt.ones.xlane vm2;
	v10 =	vld [tilespmem:s30+$0x0];
	v8 =	vxor.u32 $0x80000000, v8  }
0x61: {  	(xrf0) =	vmax.scan.msk.u32 $0xffff, v8;
	v6 =	vadd.s32 v6, v9;
	v8 =	vmpcnt.ones.xlane vm3;
	v9 =	vld [tilespmem:s30+$0x10]  }
0x62: {  	v6 =	vadd.s32 v6, v7;
	v7 =	vld [tilespmem:s30+$0xFFFFFFF0]  }
0x63: {  	v6 =	vadd.s32 v6, v8  }
0x64: {  	vm0 =	vlt.s32 v6, $0x400  }
0x65: {  	v8 =	vsel vm0, $0xFFFFFFFF, v4  }
0x66: {  	v6 =	vshll.u32 v6, $0xB;
	v9 =	vxor.u32 v8, v9  }
0x67: {  	v10 =	vxor.u32 v8, v10;
	v12 =	vxor.u32 v8, v12;
	v11, _, _ =	vpop (xrf0);
	v13 =	vxor.u32 v8, v7  }
0x68: {  	v9 =	vshrl.u32 v9, $0xA;
	v10 =	vshrl.u32 v10, $0xA;
	v11 =	vxor.u32 $0x80000000, v11  }
0x69: {  	v15 =	vsub.s32 v10, v6;
	v10 =	vand.u32 $0x7F, v10;
	v7 =	vperm.xlane v11, v3  }
0x6a: {  	s31 =	simm.s32 $0x60;
	v11 =	vshrl.u32 v13, $0xA;
	v13 =	vsub.s32 v9, v6;
	v9 =	vand.u32 $0x7F, v9  }
0x6b: {  	v14 =	vld [tilespmem:s31+$0x10];
	v19 =	vand.u32 $0xFFFFFF80, v15;
	vm1 =	vlt.u32 v13, $0x800;
	v13 =	vand.u32 $0xFFFFFF80, v13  }
0x6c: {  	v16 =	vld [tilespmem:s31+$0xFFFFFFF0];
	vm2 =	vlt.u32 v15, $0x800;
	v13 =	vor.u32 v9, v13;
	v9 =	vshrl.u32 v12, $0xA  }
0x6d: {  	v20 =	vld [tilespmem:s31+$0x0];
	v10 =	vor.u32 v10, v19;
	v12 =	vsub.s32 v11, v6;
	v17 =	vsub.s32 v9, v6  }
0x6e: {  	v9 =	vand.u32 $0x7F, v9;
	v21 =	vand.u32 $0xFFFFFF80, v17;
	vm3 =	vlt.u32 v17, $0x800  }
0x6f: {  	v62 =	vld [tilespmem:s31+$0xFFFFFFE0];
	v11 =	vand.u32 $0x7F, v11;
	v18 =	vand.u32 $0xFFFFFF80, v12;
	v61 =	vor.u32 v9, v21  }
0x70: {  	vm0 =	vlt.u32 v12, $0x800;
	v9 =	vor.u32 v11, v18;
	v11 =	vxor.u32 v8, v14  }
0x71: {  	v12 =	vxor.u32 v8, v16;
	vm0 =	vmmov vm0;
	v14 =	vshrl.u32 v11, $0xA  }
0x72: {  	v11 =	vshrl.u32 v12, $0xA;
	v12 =	vxor.u32 v8, v20;
	v15 =	vsub.s32 v14, v6  }
0x73: {  	[tilespmem:v13+s12+$0x0] =	vst.idx.add.s32.msk vm1, v1;
	v63 =	vand.u32 $0x7F, v14;
	vm1 =	vlt.u32 v15, $0x800;
	v15 =	vand.u32 $0xFFFFFF80, v15  }
0x74: {  	s15 =	simm.s32 $0x4;
	s16 =	simm.s32 $0xA0;
	v14 =	vxor.u32 v8, v62;
	v13 =	vshrl.u32 v12, $0xA;
	v12 =	vor.u32 v63, v15;
	[tilespmem:v61+s12+$0x0] =	vst.idx.add.s32.msk vm3, v1  }
.LBB2_8:
0x75: {  	v14 =	vshrl.u32 v14, $0xA  }
0x76: {  	v15 =	vld [tilespmem:s16+$0x10];
	s15 =	sadd.s32 $0x4, s15;
	v16 =	vsub.s32 v11, v6;
	v17 =	vsub.s32 v13, v6;
	vm3 =	vmmov vm2  }
0x77: {  	v18 =	vld [tilespmem:s16+$0xFFFFFFF0];
	p0 =	slt.u32 s15, $0x7FC;
	v19 =	vsub.s32 v14, v6;
	v20 =	vand.u32 $0xFFFFFF80, v16;
	v21 =	vand.u32 $0xFFFFFF80, v17  }
0x78: {  	v11 =	vand.u32 $0x7F, v11;
	v14 =	vand.u32 $0x7F, v14;
	v22 =	vld [tilespmem:s16+$0x0];
	v23 =	vand.u32 $0xFFFFFF80, v19  }
0x79: {  	v13 =	vand.u32 $0x7F, v13;
	vm4 =	vlt.u32 v19, $0x800;
	v24 =	vld [tilespmem:s16+$0xFFFFFFE0];
	v19 =	vor.u32 v14, v23  }
0x7a: {  	vm5 =	vlt.u32 v16, $0x800;
	vm2 =	vlt.u32 v17, $0x800;
	v11 =	vor.u32 v11, v20;
	[tilespmem:v12+s12+$0x0] =	vst.idx.add.s32.msk vm1, v1  }
.Ltmp3:
0x7b: {  	v13 =	vor.u32 v13, v21;
	v12 =	vxor.u32 v8, v15;
	[tilespmem:v9+s12+$0x0] =	vst.idx.add.s32.msk vm0, v1;
	v9 =	vmov v11;
	(pc) =	sbr.rel @p0 .LBB2_8-.Ltmp3, $4  }
0x7c: {  	vm0 =	vmmov vm5;
	v11 =	vxor.u32 v8, v18;
	v12 =	vshrl.u32 v12, $0xA;
	[tilespmem:v10+s12+$0x0] =	vst.idx.add.s32.msk vm3, v1;
	v10 =	vmovc v13  }
0x7d: {  	v11 =	vshrl.u32 v11, $0xA;
	v13 =	vxor.u32 v8, v22;
	v14 =	vsub.s32 v12, v6  }
0x7e: {  	v12 =	vand.u32 $0x7F, v12;
	vm1 =	vlt.u32 v14, $0x800;
	v15 =	vand.u32 $0xFFFFFF80, v14  }
0x7f: {  	s16 =	sadd.s32 $0x40, s16;
	v14 =	vxor.u32 v8, v24;
	v13 =	vshrl.u32 v13, $0xA;
	v12 =	vor.u32 v12, v15;
	[tilespmem:v19+s12+$0x0] =	vst.idx.add.s32.msk vm4, v1  }
0x80: {  	v8 =	vshrl.u32 v14, $0xA;
	v61 =	vsub.s32 v11, v6;
	v15 =	vsub.s32 v13, v6  }
0x81: {  	vm2 =	vmmov vm2;
	v11 =	vand.u32 $0x7F, v11;
	v62 =	vand.u32 $0x7F, v13  }
0x82: {  	v16 =	vsub.s32 v8, v6;
	v17 =	vand.u32 $0xFFFFFF80, v61;
	v8 =	vand.u32 $0x7F, v8  }
0x83: {  	vm4 =	vlt.u32 v61, $0x800;
	v19 =	vand.u32 $0xFFFFFF80, v16;
	vm3 =	vlt.u32 v16, $0x800  }
0x84: {  	vm5 =	vlt.u32 v15, $0x800;
	vm4 =	vmmov vm4;
	v8 =	vor.u32 v8, v19  }
0x85: {  	v18 =	vand.u32 $0xFFFFFF80, v15;
	v11 =	vor.u32 v11, v17;
	vm5 =	vmmov vm5  }
0x86: {  	[tilespmem:v12+s12+$0x0] =	vst.idx.add.s32.msk vm1, v1;
	v63 =	vor.u32 v62, v18  }
0x87: {  	[tilespmem:v9+s12+$0x0] =	vst.idx.add.s32.msk vm0, v1  }
0x88: {  	[tilespmem:v10+s12+$0x0] =	vst.idx.add.s32.msk vm2, v1  }
0x89: {  	[tilespmem:v8+s12+$0x0] =	vst.idx.add.s32.msk vm3, v1  }
0x8a: {  	[tilespmem:v11+s12+$0x0] =	vst.idx.add.s32.msk vm4, v1  }
0x8b: {  	s15 =	simm.s32 $0x0;
	[tilespmem:v63+s12+$0x0] =	vst.idx.add.s32.msk vm5, v1  }
0x8c: {  	v8 =	vld [tilespmem:s15+$0x8000];
	_ =	sdelay $0x4  }
0x8d: {  	s16 =	simm.s32 $0x10;
	(xrf0) =	vadd.scan.msk.s32 $0xffff, v8  }
0x8e: {  	v9 =	vld [tilespmem:s16+$0x8000];
	_ =	sdelay $0x4  }
0x8f: {  	s17 =	simm.s32 $0x20;
	[tilespmem:s15+$0x8000] =	vst v0;
	v8 =	vimm.s32 $0x0;
	v10, _, _ =	vpop (xrf0);
	(xrf0) =	vadd.scan.msk.s32 $0xffff, v9  }
0x90: {  	v5 =	vsub.s32 v5, v7;
	[tilespmem:s16+$0x8000] =	vst v0;
	v7 =	vld [tilespmem:s17+$0x8000];
	v10 =	vadd.s32 v8, v10  }
0x91: {  	s15 =	simm.s32 $0xC0;
	[tilespmem:s17+$0x8000] =	vst v0;
	vm0 =	vle.s32 v10, v5;
	v9 =	vperm.xlane v10, v3  }
.LBB2_10:
0x92: {  	p0 =	sne.s32 s15, $0x1FC0;
	v11 =	vmpcnt.ones.xlane vm0;
	s16 =	smov.u32 s15;
	s15 =	sadd.s32 $0x40, s15  }
.Ltmp4:
0x93: {  	(pc) =	sbr.rel @p0 .LBB2_10-.Ltmp4, $4  }
0x94: {  	v8 =	vadd.s32 v8, v11  }
0x95: {  	s16 =	sshra.s32 s16, $0x2;
	(xrf0) =	vadd.scan.msk.s32 $0xffff, v7;
	v10, _, _ =	vpop (xrf0)  }
0x96: {  	v7 =	vld [tilespmem:s16+$0x8000];
	[tilespmem:s16+$0x8000] =	vst v0;
	v9 =	vadd.s32 v9, v10  }
0x97: {  	vm0 =	vle.s32 v9, v5;
	v9 =	vperm.xlane v9, v3  }
0x98: {  	_ =	sdelay $0x2  }
0x99: {  	(xrf0) =	vadd.scan.msk.s32 $0xffff, v7;
	_ =	sdelay $0x2  }
0x9a: {  	v7, _, _ =	vpop (xrf0)  }
0x9b: {  	v7 =	vadd.s32 v9, v7  }
0x9c: {  	v9 =	vperm.xlane v7, v3  }
0x9d: {  	v10, _, _ =	vpop (xrf0)  }
0x9e: {  	v62 =	vmpcnt.ones.xlane vm0;
	vm13 =	vle.s32 v7, v5;
	v9 =	vadd.s32 v9, v10  }
0x9f: {  	v7 =	vmpcnt.ones.xlane vm13;
	vm14 =	vle.s32 v9, v5  }
0xa0: {  	v5 =	vadd.s32 v8, v62;
	v63 =	vmpcnt.ones.xlane vm14  }
0xa1: {  	v5 =	vadd.s32 v5, v7  }
0xa2: {  	v5 =	vadd.s32 v5, v63  }
0xa3: {  	v5 =	vor.u32 v6, v5  }
0xa4: {  	v5 =	vshll.u32 v5, $0xA  }
0xa5: {  	vm15 =	vgt.s32 v5, $0xFFFFFFFF  }
0xa6: {  	s14 =	sadd.s32 $0x1, s14;
	v6 =	vsel vm15, $0xFFFFFFFF, v4  }
0xa7: {  	p0 =	sne.s32 s14, s6;
	v5 =	vxor.u32 v5, v6  }
.Ltmp5:
0xa8: {  	[tilespmem:$0x8880] =	vst v5;
	(pc) =	sbr.rel @p0 .LBB2_1-.Ltmp5, $4  }
0xa9: {  	[hbm4b:s5+s2] =	stream.linear.scatter [tilespmem:s13], [sflag:$0x2], $0x80, $0x38;
	[tilespmem:$0x8900] =	vst v63  }
0xaa: {  	_ =	swait.ge [sflag:s10], $0x80  }
0xab: {  	[sflag:s10] =	ssyncset.done $0x0  }
0xac: {  	[sflag:s10] =	ssyncadd.s32 $0xFFFFFF80  }
0xad: {  	_ =	sfence.sel $0x180000  }
0xae: {  	[bflag:$0x0] =	sbarrier.arrive $0xFFFF  }
0xaf: {  	p0 =	sne.s32 s1, $0x0;
	_ =	strace $0x90000047  }
0xb0: {  	s0 =	sadd.s32 @!p0 $0x100000, s0;
	[bflag:$0x2] =	sbarrier.arrive $0xFFFF  }
0xb1: {  	[sflag:s0] =	ssyncadd.tile.s32 @!p0 $0x1;
	_ =	shalt  }
.Lfunc_end2:
_tile_overlayer_lowered:
.L_overlay_start_2:
0xb2: {  	(tag) =	ssettag $0x2  }
0xb3: {  	s0 =	rddreg [dreg:$0x0];
	s2 =	stileid.u32  }
0xb4: {  	s1 =	rddreg [dreg:$0x1];
	p0 =	sne.s32 s2, $0x0  }
0xb5: {  	s3 =	rddreg [dreg:$0x2];
	[bflag:$0x3] =	sbarrier.arrive $0xFFFF;
	s2 =	simm.s32 @!p0 $0x1C02  }
0xb6: {  	[timem:s3], [sflag:s2] =	dma.local @!p0 [hbm:s0], s1  }
0xb7: {  	s0 =	simm.s32 @!p0 $0x2  }
0xb8: {  	_ =	swait.ge @!p0 [sflag:s0], s1  }
0xb9: {  	s1 =	ssub.s32 @!p0 $0x0, s1;
	[sflag:s0] =	ssyncset.done @!p0 $0x0  }
0xba: {  	[sflag:s0] =	ssyncadd.s32 @!p0 s1  }
0xbb: {  	[bflag:$0x3] =	sbarrier.arrive $0xFFFF  }
0xbc: {  	_ =	shalt  }

</sc_bundles>
